<compile_context>
chip_gen: v7x
topology: tpu7x:2x2x1
jax: 0.10.2.dev20260603
libtpu: 0.0.44.dev20260713+nightly
codegen_flags: <defaults>
</compile_context>

<pallas_src>
import functools

import jax
import jax.numpy as jnp
import numpy as np
from jax import lax
from jax.experimental import pallas as pl
from jax.experimental.pallas import tpu as pltpu
from jax.experimental.pallas import tpu_sc as plsc

_B = 8
_N = 4096
_S = 512
_NS = 32
_R2 = np.float32(0.2 ** 2)
_EPS = np.float32(1e-3)
_NW = 32
_CPW = (_B * _S) // _NW
_GRP = 16
_M = float(_B * _S * _NS)


def _fps_kernel(x_ref, y_ref, z_ref, cx_ref, cy_ref, cz_ref, pn_ref,
                xr_ref, yr_ref, zr_ref):
    x = x_ref[...]
    y = y_ref[...]
    z = z_ref[...]
    pn_ref[...] = (x * x + y * y) + z * z
    xr_ref[...] = x.astype(jnp.bfloat16).astype(jnp.float32)
    yr_ref[...] = y.astype(jnp.bfloat16).astype(jnp.float32)
    zr_ref[...] = z.astype(jnp.bfloat16).astype(jnp.float32)
    lane = lax.broadcasted_iota(jnp.int32, (_B, _N), 1)
    lane_s = lax.broadcasted_iota(jnp.int32, (_B, _S), 1)

    def body(i, carry):
        dists, far, ax, ay, az = carry
        oh = lane == far
        cx = jnp.max(jnp.where(oh, x, -1.0), axis=1, keepdims=True)
        cy = jnp.max(jnp.where(oh, y, -1.0), axis=1, keepdims=True)
        cz = jnp.max(jnp.where(oh, z, -1.0), axis=1, keepdims=True)
        sel = lane_s == i
        ax = jnp.where(sel, cx, ax)
        ay = jnp.where(sel, cy, ay)
        az = jnp.where(sel, cz, az)
        dx = x - cx
        dy = y - cy
        dz = z - cz
        d = (dx * dx + dy * dy) + dz * dz
        dists = jnp.minimum(dists, d)
        mx = jnp.max(dists, axis=1, keepdims=True)
        far = jnp.min(jnp.where(dists == mx, lane, _N), axis=1, keepdims=True)
        return dists, far, ax, ay, az

    dists0 = jnp.full((_B, _N), 1e10, jnp.float32)
    far0 = jnp.zeros((_B, 1), jnp.int32)
    acc0 = jnp.zeros((_B, _S), jnp.float32)
    _, _, ax, ay, az = lax.fori_loop(0, _S, body, (dists0, far0, acc0, acc0, acc0))
    cx_ref[...] = ax
    cy_ref[...] = ay
    cz_ref[...] = az


def _run_fps(x, y, z):
    return pl.pallas_call(
        _fps_kernel,
        out_shape=[
            jax.ShapeDtypeStruct((_B, _S), jnp.float32),
            jax.ShapeDtypeStruct((_B, _S), jnp.float32),
            jax.ShapeDtypeStruct((_B, _S), jnp.float32),
            jax.ShapeDtypeStruct((_B, _N), jnp.float32),
            jax.ShapeDtypeStruct((_B, _N), jnp.float32),
            jax.ShapeDtypeStruct((_B, _N), jnp.float32),
            jax.ShapeDtypeStruct((_B, _N), jnp.float32),
        ],
    )(x, y, z)


def _corr_kernel(cx_ref, cy_ref, cz_ref, c2_ref, cxr_ref, cyr_ref, czr_ref):
    cx = cx_ref[...]
    cy = cy_ref[...]
    cz = cz_ref[...]
    c2_ref[...] = (cx * cx + cy * cy) + cz * cz
    cxr_ref[...] = cx.astype(jnp.bfloat16).astype(jnp.float32)
    cyr_ref[...] = cy.astype(jnp.bfloat16).astype(jnp.float32)
    czr_ref[...] = cz.astype(jnp.bfloat16).astype(jnp.float32)


def _run_corr(cxc, cyc, czc):
    return pl.pallas_call(
        _corr_kernel,
        out_shape=[
            jax.ShapeDtypeStruct((_B * _S, 1), jnp.float32),
            jax.ShapeDtypeStruct((_B * _S, 1), jnp.float32),
            jax.ShapeDtypeStruct((_B * _S, 1), jnp.float32),
            jax.ShapeDtypeStruct((_B * _S, 1), jnp.float32),
        ],
    )(cxc, cyc, czc)


def _sc_body(x_hbm, y_hbm, z_hbm, pn_hbm, cx_hbm, cy_hbm, cz_hbm, c2_hbm,
             proj_hbm, out_hbm,
             x_t, y_t, z_t, pn_t, cx_t, cy_t, cz_t, c2_t,
             selbuf, idxbuf, rows_v, sem):
    c = lax.axis_index("c")
    s = lax.axis_index("s")
    w = s * 2 + c
    b = w // 4
    cbase = w * _CPW

    pltpu.sync_copy(x_hbm.at[pl.ds(b * _N, _N)], x_t)
    pltpu.sync_copy(y_hbm.at[pl.ds(b * _N, _N)], y_t)
    pltpu.sync_copy(z_hbm.at[pl.ds(b * _N, _N)], z_t)
    pltpu.sync_copy(pn_hbm.at[pl.ds(b * _N, _N)], pn_t)
    pltpu.sync_copy(cx_hbm.at[pl.ds(cbase, _CPW)], cx_t.at[pl.ds(0, _CPW)])
    pltpu.sync_copy(cy_hbm.at[pl.ds(cbase, _CPW)], cy_t.at[pl.ds(0, _CPW)])
    pltpu.sync_copy(cz_hbm.at[pl.ds(cbase, _CPW)], cz_t.at[pl.ds(0, _CPW)])
    pltpu.sync_copy(c2_hbm.at[pl.ds(cbase, _CPW)], c2_t.at[pl.ds(0, _CPW)])

    lane16 = lax.broadcasted_iota(jnp.int32, (16,), 0)
    rowbase = b * _N
    imax = jnp.int32(2147483647)

    def group_body(g, _):
        def cent_body(j, _):
            ci = g * _GRP + j
            cxj = cx_t[pl.ds(ci, 16)][0]
            cyj = cy_t[pl.ds(ci, 16)][0]
            czj = cz_t[pl.ds(ci, 16)][0]
            c2j = c2_t[pl.ds(ci, 16)][0]

            def chunk_body(cidx, cnt):
                n = cidx * 16
                px = x_t[pl.ds(n, 16)]
                py = y_t[pl.ds(n, 16)]
                pz = z_t[pl.ds(n, 16)]
                pb = pn_t[pl.ds(n, 16)]
                dot = (px * cxj + py * cyj) + pz * czj
                d2 = (c2j + pb) - 2.0 * dot
                m = d2 <= _R2
                mi = jnp.where(m, lane16 + n, imax)
                srt = jnp.sort(mi)
                selbuf[pl.ds(jnp.minimum(cnt, _NS), 16)] = srt
                pc = plsc.all_reduce_population_count(m)
                return cnt + pc[0]

            cnt = lax.fori_loop(0, _N // 16, chunk_body, jnp.int32(0))

            first = selbuf[pl.ds(0, 16)][0]
            firstv = jnp.where(cnt > 0, first, _N - 1)
            for k in range(2):
                cur = selbuf[pl.ds(16 * k, 16)]
                lanes = lane16 + 16 * k
                selv = jnp.where(lanes < cnt, cur, firstv) + rowbase
                p = j * _NS + 16 * k
                idxbuf[p // 128, pl.ds(lax.rem(p, 128), 16)] = selv
            return 0

        lax.fori_loop(0, _GRP, cent_body, 0)

        cps = [pltpu.async_copy(proj_hbm.at[idxbuf.at[r]],
                                rows_v.at[pl.ds(r * 128, 128)], sem)
               for r in range(4)]
        for cp in cps:
            cp.wait()
        out_base = w * (_CPW * _NS) + g * (_GRP * _NS)
        pltpu.sync_copy(rows_v, out_hbm.at[pl.ds(out_base, _GRP * _NS)])
        return 0

    lax.fori_loop(0, _CPW // _GRP, group_body, 0)


def _run_sc(x, y, z, pn, cx, cy, cz, c2, proj):
    mesh = plsc.VectorSubcoreMesh(core_axis_name="c", subcore_axis_name="s")
    return pl.kernel(
        _sc_body,
        out_type=jax.ShapeDtypeStruct((_B * _S * _NS, 80), jnp.float32),
        mesh=mesh,
        compiler_params=pltpu.CompilerParams(needs_layout_passes=False,
                                             use_tc_tiling_on_sc=False),
        scratch_types=[
            pltpu.VMEM((_N,), jnp.float32),
            pltpu.VMEM((_N,), jnp.float32),
            pltpu.VMEM((_N,), jnp.float32),
            pltpu.VMEM((_N,), jnp.float32),
            pltpu.VMEM((_CPW + 16,), jnp.float32),
            pltpu.VMEM((_CPW + 16,), jnp.float32),
            pltpu.VMEM((_CPW + 16,), jnp.float32),
            pltpu.VMEM((_CPW + 16,), jnp.float32),
            pltpu.VMEM((48,), jnp.int32),
            pltpu.VMEM((4, 128), jnp.int32),
            pltpu.VMEM((_GRP * _NS, 80), jnp.float32),
            pltpu.SemaphoreType.DMA,
        ],
    )(x, y, z, pn, cx, cy, cz, c2, proj)


_NT = 16
_RT = (_B * _S) // _NT


def _accum_stats(i, y, cout, st_ref):
    ssum = jnp.sum(y, axis=0)[None]
    ssq = jnp.sum(y * y, axis=0)[None]
    part = jnp.concatenate([ssum, ssq, jnp.zeros((6, cout), jnp.float32)], 0)

    @pl.when(i == 0)
    def _():
        st_ref[...] = part

    @pl.when(i > 0)
    def _():
        st_ref[...] += part


def _c1_kernel(g_ref, nx_ref, w_ref, b_ref, x1_ref, st_ref):
    i = pl.program_id(0)
    xin = (g_ref[...] - nx_ref[...]).reshape(_RT * _NS, 80)
    y = jnp.dot(xin.astype(jnp.bfloat16), w_ref[...].astype(jnp.bfloat16),
                preferred_element_type=jnp.float32) + b_ref[...]
    x1 = jnp.maximum(y, 0.0)
    x1_ref[...] = x1.reshape(_RT, _NS, 64)
    _accum_stats(i, x1, 64, st_ref)


def _run_c1(grouped, nxp, w0p, b0r):
    return pl.pallas_call(
        _c1_kernel,
        grid=(_NT,),
        in_specs=[
            pl.BlockSpec((_RT, _NS, 80), lambda i: (i, 0, 0)),
            pl.BlockSpec((_RT, 1, 80), lambda i: (i, 0, 0)),
            pl.BlockSpec((80, 64), lambda i: (0, 0)),
            pl.BlockSpec((1, 64), lambda i: (0, 0)),
        ],
        out_specs=[
            pl.BlockSpec((_RT, _NS, 64), lambda i: (i, 0, 0)),
            pl.BlockSpec((8, 64), lambda i: (0, 0)),
        ],
        out_shape=[
            jax.ShapeDtypeStruct((_B * _S, _NS, 64), jnp.float32),
            jax.ShapeDtypeStruct((8, 64), jnp.float32),
        ],
    )(grouped, nxp, w0p, b0r)


def _mid_kernel(cout, x_ref, st_ref, w_ref, pg_ref, pb_ref, x2_ref, st2_ref):
    i = pl.program_id(0)
    st = st_ref[...]
    mu = st[0:1] / _M
    var = st[1:2] / _M - mu * mu
    xb = x_ref[...].reshape(_RT * _NS, x_ref.shape[-1])
    xn = (pg_ref[0:1, :] * (xb - mu)) / jnp.sqrt(var + _EPS) + pg_ref[1:2, :]
    y = jnp.dot(xn.astype(jnp.bfloat16), w_ref[...].astype(jnp.bfloat16),
                preferred_element_type=jnp.float32) + pb_ref[...]
    y = jnp.maximum(y, 0.0)
    _accum_stats(i, y, cout, st2_ref)
    return y


def _c2_kernel(x_ref, st_ref, w_ref, pg_ref, pb_ref, x2_ref, st2_ref):
    y = _mid_kernel(64, x_ref, st_ref, w_ref, pg_ref, pb_ref, x2_ref, st2_ref)
    x2_ref[...] = y.reshape(_RT, _NS, 64)


def _c3_kernel(x_ref, st_ref, w_ref, pg_ref, pb_ref, pool_ref, st2_ref):
    y = _mid_kernel(128, x_ref, st_ref, w_ref, pg_ref, pb_ref, pool_ref,
                    st2_ref)
    pool_ref[...] = jnp.max(y.reshape(_RT, _NS, 128), axis=1)


def _run_c2(x1, st1, w1, pg1, pb1):
    return pl.pallas_call(
        _c2_kernel,
        grid=(_NT,),
        in_specs=[
            pl.BlockSpec((_RT, _NS, 64), lambda i: (i, 0, 0)),
            pl.BlockSpec((8, 64), lambda i: (0, 0)),
            pl.BlockSpec((64, 64), lambda i: (0, 0)),
            pl.BlockSpec((8, 64), lambda i: (0, 0)),
            pl.BlockSpec((1, 64), lambda i: (0, 0)),
        ],
        out_specs=[
            pl.BlockSpec((_RT, _NS, 64), lambda i: (i, 0, 0)),
            pl.BlockSpec((8, 64), lambda i: (0, 0)),
        ],
        out_shape=[
            jax.ShapeDtypeStruct((_B * _S, _NS, 64), jnp.float32),
            jax.ShapeDtypeStruct((8, 64), jnp.float32),
        ],
    )(x1, st1, w1, pg1, pb1)


def _run_c3(x2, st2, w2, pg2, pb2):
    return pl.pallas_call(
        _c3_kernel,
        grid=(_NT,),
        in_specs=[
            pl.BlockSpec((_RT, _NS, 64), lambda i: (i, 0, 0)),
            pl.BlockSpec((8, 64), lambda i: (0, 0)),
            pl.BlockSpec((64, 128), lambda i: (0, 0)),
            pl.BlockSpec((8, 64), lambda i: (0, 0)),
            pl.BlockSpec((1, 128), lambda i: (0, 0)),
        ],
        out_specs=[
            pl.BlockSpec((_RT, 128), lambda i: (i, 0)),
            pl.BlockSpec((8, 128), lambda i: (0, 0)),
        ],
        out_shape=[
            jax.ShapeDtypeStruct((_B * _S, 128), jnp.float32),
            jax.ShapeDtypeStruct((8, 128), jnp.float32),
        ],
    )(x2, st2, w2, pg2, pb2)


def _c4_kernel(pool_ref, st_ref, pg_ref, out_ref):
    st = st_ref[...]
    mu = st[0:1] / _M
    var = st[1:2] / _M - mu * mu
    out_ref[...] = (pg_ref[0:1, :] * (pool_ref[...] - mu)
                    / jnp.sqrt(var + _EPS) + pg_ref[1:2, :])


def _run_c4(pooled, st3, pg3):
    return pl.pallas_call(
        _c4_kernel,
        out_shape=jax.ShapeDtypeStruct((_B * _S, 128), jnp.float32),
    )(pooled, st3, pg3)


def kernel(xyz, points, W0, b0, g0, be0, W1, b1, g1, be1, W2, b2, g2, be2):
    x = xyz[:, :, 0]
    y = xyz[:, :, 1]
    z = xyz[:, :, 2]

    cx, cy, cz, pn, xr, yr, zr = _run_fps(x, y, z)
    new_xyz = jnp.stack([cx, cy, cz], axis=-1)

    c2, cxr, cyr, czr = _run_corr(cx.reshape(_B * _S, 1),
                                  cy.reshape(_B * _S, 1),
                                  cz.reshape(_B * _S, 1))

    table = jnp.concatenate(
        [xyz, points, jnp.zeros((_B, _N, 13), jnp.float32)], axis=-1
    ).reshape(_B * _N, 80)
    w0p = jnp.concatenate([W0, jnp.zeros((13, 64), jnp.float32)], 0)
    nxp = jnp.concatenate(
        [new_xyz, jnp.zeros((_B, _S, 77), jnp.float32)], axis=-1
    ).reshape(_B * _S, 1, 80)

    grouped = _run_sc(xr.reshape(_B * _N), yr.reshape(_B * _N),
                      zr.reshape(_B * _N), pn.reshape(_B * _N),
                      cxr.reshape(_B * _S), cyr.reshape(_B * _S),
                      czr.reshape(_B * _S), c2.reshape(_B * _S), table)

    def pack8(a, b_):
        zpad = jnp.zeros((1, a.shape[0]), jnp.float32)
        return jnp.concatenate([a[None], b_[None]] + [zpad] * 6, 0)

    x1, st1 = _run_c1(grouped.reshape(_B * _S, _NS, 80), nxp, w0p,
                      b0.reshape(1, 64))
    x2, st2 = _run_c2(x1, st1, W1, pack8(g0, be0), b1.reshape(1, 64))
    pooled, st3 = _run_c3(x2, st2, W2, pack8(g1, be1), b2.reshape(1, 128))
    feats = _run_c4(pooled, st3, pack8(g2, be2))
    return new_xyz, feats.reshape(_B, _S, 128)

# --- scband reference (transcript-rebuilt; emitter-appended) ---
"""Pipeline reference for scband-point-net-set-abstraction-83425444757837 (READ-ONLY COPY).

The authoritative reference and input builder live on the scoring server;
editing this copy changes nothing except your own understanding.
"""

import jax, jax.numpy as jnp
import numpy as np

NPOINT = 512
NSAMPLE = 32
RADIUS = 0.2
EPS = 1e-3


def farthest_point_sample(xyz, npoint):
    B, N, _ = xyz.shape

    def body(i, state):
        dists, idxs, farthest = state
        idxs = idxs.at[:, i].set(farthest)
        centroid = jnp.take_along_axis(xyz, farthest[:, None, None], axis=1)
        d = jnp.sum((xyz - centroid) ** 2, axis=-1)
        dists = jnp.minimum(dists, d)
        farthest = jnp.argmax(dists, axis=-1).astype(jnp.int32)
        return (dists, idxs, farthest)

    dists = jnp.full((B, N), 1e10, dtype=jnp.float32)
    idxs = jnp.zeros((B, npoint), dtype=jnp.int32)
    farthest = jnp.zeros((B,), dtype=jnp.int32)
    _, idxs, _ = jax.lax.fori_loop(0, npoint, body, (dists, idxs, farthest))
    return idxs


def query_ball_point(radius, nsample, xyz, new_xyz):
    B, N, _ = xyz.shape
    S = new_xyz.shape[1]
    sqr = (jnp.sum(new_xyz ** 2, -1)[:, :, None] + jnp.sum(xyz ** 2, -1)[:, None, :]
           - 2.0 * jnp.einsum('bsd,bnd->bsn', new_xyz, xyz))
    group_idx = jnp.broadcast_to(jnp.arange(N, dtype=jnp.int32), (B, S, N))
    group_idx = jnp.where(sqr > radius ** 2, N, group_idx)
    group_idx = jnp.sort(group_idx, axis=-1)[:, :, :nsample]
    first = group_idx[:, :, :1]
    group_idx = jnp.where(group_idx == N, first, group_idx)
    return jnp.clip(group_idx, 0, N - 1)


def group_point(points, idx):
    B, S, ns = idx.shape
    C = points.shape[-1]
    flat = jnp.take_along_axis(points, idx.reshape(B, S * ns)[:, :, None], axis=1)
    return flat.reshape(B, S, ns, C)


def setup_inputs(seed: int = 0):
    key = jax.random.key(seed)
    ks = jax.random.split(key, 16)
    xyz = jax.random.uniform(ks[0], (8, 4096, 3), dtype=jnp.float32)
    points = jax.random.normal(ks[1], (8, 4096, 64), dtype=jnp.float32)
    chans = [67, 64, 64, 128]
    inp = {'xyz': xyz, 'points': points}
    for i in range(3):
        cin, cout = chans[i], chans[i + 1]
        inp['W%d' % i] = jax.random.normal(ks[2 + i], (cin, cout), dtype=jnp.float32) * (1.0 / np.sqrt(cin))
        inp['b%d' % i] = jnp.zeros((cout,), dtype=jnp.float32)
        inp['g%d' % i] = jnp.ones((cout,), dtype=jnp.float32)
        inp['be%d' % i] = jnp.zeros((cout,), dtype=jnp.float32)
    return inp


def reference(xyz, points, W0, b0, g0, be0, W1, b1, g1, be1, W2, b2, g2, be2):
    xyz_sg = jax.lax.stop_gradient(xyz)
    fps_idx = farthest_point_sample(xyz_sg, NPOINT)
    new_xyz = jnp.take_along_axis(xyz, fps_idx[:, :, None], axis=1)
    gidx = query_ball_point(RADIUS, NSAMPLE, xyz_sg, jax.lax.stop_gradient(new_xyz))
    grouped_xyz = group_point(xyz, gidx) - new_xyz[:, :, None, :]
    grouped_points = group_point(points, gidx)
    x = jnp.concatenate([grouped_xyz, grouped_points], axis=-1)
    for W, b, g, be in ((W0, b0, g0, be0), (W1, b1, g1, be1), (W2, b2, g2, be2)):
        x = jax.nn.relu(x @ W + b)
        mean = jnp.mean(x, axis=(0, 1, 2), keepdims=True)
        var = jnp.var(x, axis=(0, 1, 2), keepdims=True)
        x = g * (x - mean) / jnp.sqrt(var + EPS) + be
    new_features = jnp.max(x, axis=2)
    return (new_xyz, new_features)

if __name__ == "__main__":
    import jax
    _d = setup_inputs()
    print(jax.jit(kernel)(*tuple(_d.values())))

</pallas_src>

<mosaic_0001>
#map = affine_map<(d0, d1) -> (0)>
#map1 = affine_map<(d0, d1) -> (0, 0)>
module attributes {stable_mosaic.version = 14 : i64} {
  func.func @_sc_body(%arg0: i32, %arg1: i32, %arg2: memref<32768xf32, #tpu.memory_space<hbm>>, %arg3: memref<32768xf32, #tpu.memory_space<hbm>>, %arg4: memref<32768xf32, #tpu.memory_space<hbm>>, %arg5: memref<32768xf32, #tpu.memory_space<hbm>>, %arg6: memref<4096xf32, #tpu.memory_space<hbm>>, %arg7: memref<4096xf32, #tpu.memory_space<hbm>>, %arg8: memref<4096xf32, #tpu.memory_space<hbm>>, %arg9: memref<4096xf32, #tpu.memory_space<hbm>>, %arg10: memref<32768x80xf32, #tpu.memory_space<hbm>>, %arg11: memref<131072x80xf32, #tpu.memory_space<hbm>>, %arg12: memref<4096xf32, #tpu.memory_space<vmem>>, %arg13: memref<4096xf32, #tpu.memory_space<vmem>>, %arg14: memref<4096xf32, #tpu.memory_space<vmem>>, %arg15: memref<4096xf32, #tpu.memory_space<vmem>>, %arg16: memref<144xf32, #tpu.memory_space<vmem>>, %arg17: memref<144xf32, #tpu.memory_space<vmem>>, %arg18: memref<144xf32, #tpu.memory_space<vmem>>, %arg19: memref<144xf32, #tpu.memory_space<vmem>>, %arg20: memref<48xi32, #tpu.memory_space<vmem>>, %arg21: memref<4x128xi32, #tpu.memory_space<vmem>>, %arg22: memref<512x80xf32, #tpu.memory_space<vmem>>, %arg23: memref<!tpu.dma_semaphore, #tpu.memory_space<semaphore_mem>>) attributes {dimension_semantics = [#tpu.dimension_semantics<core_parallel>, #tpu.dimension_semantics<subcore_parallel>], iteration_bounds = array<i64: 2, 16>, scalar_prefetch = 0 : i64, scratch_operands = 12 : i64, tpu.core_type = #tpu.core_type<sc_vector_subcore>, window_params = [{transform_indices = #map}, {transform_indices = #map}, {transform_indices = #map}, {transform_indices = #map}, {transform_indices = #map}, {transform_indices = #map}, {transform_indices = #map}, {transform_indices = #map}, {transform_indices = #map1}, {transform_indices = #map1}]} {
    %mul3A = arith.constant 2 : i32
    %mul3A_0 = arith.muli %arg1, %mul3A : i32
    %add3A = arith.addi %mul3A_0, %arg0 : i32
    %jit3A = arith.constant 4 : i32
    %div3A = arith.divsi %add3A, %jit3A : i32
    %sign3A = arith.constant 0 : i32
    %sign3A_1 = arith.cmpi sgt, %add3A, %sign3A : i32
    %sign3A_2 = arith.extui %sign3A_1 : i1 to i32
    %sign3A_3 = arith.constant 0 : i32
    %sign3A_4 = arith.cmpi slt, %add3A, %sign3A_3 : i32
    %sign3A_5 = arith.extui %sign3A_4 : i1 to i32
    %sign3A_6 = arith.subi %sign3A_2, %sign3A_5 : i32
    %sign3A_7 = arith.constant 0 : i32
    %sign3A_8 = arith.cmpi sgt, %jit3A, %sign3A_7 : i32
    %sign3A_9 = arith.extui %sign3A_8 : i1 to i32
    %sign3A_10 = arith.constant 0 : i32
    %sign3A_11 = arith.cmpi slt, %jit3A, %sign3A_10 : i32
    %sign3A_12 = arith.extui %sign3A_11 : i1 to i32
    %sign3A_13 = arith.subi %sign3A_9, %sign3A_12 : i32
    %ne3A = arith.cmpi ne, %sign3A_6, %sign3A_13 : i32
    %rem3A = arith.remsi %add3A, %jit3A : i32
    %ne3A_14 = arith.constant 0 : i32
    %ne3A_15 = arith.cmpi ne, %rem3A, %ne3A_14 : i32
    %and3A = arith.andi %ne3A, %ne3A_15 : i1
    %sub3A = arith.constant 1 : i32
    %sub3A_16 = arith.subi %div3A, %sub3A : i32
    %select_n3A = arith.select %and3A, %sub3A_16, %div3A : i32
    %mul3A_17 = arith.constant 128 : i32
    %mul3A_18 = arith.muli %add3A, %mul3A_17 : i32
    %mul3A_19 = arith.constant 4096 : i32
    %mul3A_20 = arith.muli %select_n3A, %mul3A_19 : i32
    "tpu.region"() ({
      %run_scoped3A = tpu.sem_alloc : memref<!tpu.dma_semaphore, #tpu.memory_space<semaphore_mem>>
      %dma_start3A = tpu.memref_slice %arg2[%mul3A_20] : memref<32768xf32, #tpu.memory_space<hbm>> -> memref<4096xf32, #tpu.memory_space<hbm>>
      %dma_start3A_36 = tpu.memref_slice %arg2[%mul3A_20] : memref<32768xf32, #tpu.memory_space<hbm>> -> memref<4096xf32, #tpu.memory_space<hbm>>
      tpu.enqueue_dma source(%dma_start3A_36 : memref<4096xf32, #tpu.memory_space<hbm>>) target(%arg12 : memref<4096xf32, #tpu.memory_space<vmem>>) target_semaphore(%run_scoped3A : memref<!tpu.dma_semaphore, #tpu.memory_space<semaphore_mem>>)
      %dma_wait3A = tpu.memref_slice %arg2[%mul3A_20] : memref<32768xf32, #tpu.memory_space<hbm>> -> memref<4096xf32, #tpu.memory_space<hbm>>
      %dma_wait3A_37 = tpu.memref_slice %arg2[%mul3A_20] : memref<32768xf32, #tpu.memory_space<hbm>> -> memref<4096xf32, #tpu.memory_space<hbm>>
      tpu.wait_dma2 semaphore(%run_scoped3A : memref<!tpu.dma_semaphore, #tpu.memory_space<semaphore_mem>>) src(%dma_wait3A_37 : memref<4096xf32, #tpu.memory_space<hbm>>) dst(%arg12 : memref<4096xf32, #tpu.memory_space<vmem>>)
      tpu.yield
    }) : () -> ()
    %mul3A_21 = arith.constant 4096 : i32
    %mul3A_22 = arith.muli %select_n3A, %mul3A_21 : i32
    "tpu.region"() ({
      %run_scoped3A = tpu.sem_alloc : memref<!tpu.dma_semaphore, #tpu.memory_space<semaphore_mem>>
      %dma_start3A = tpu.memref_slice %arg3[%mul3A_22] : memref<32768xf32, #tpu.memory_space<hbm>> -> memref<4096xf32, #tpu.memory_space<hbm>>
      %dma_start3A_36 = tpu.memref_slice %arg3[%mul3A_22] : memref<32768xf32, #tpu.memory_space<hbm>> -> memref<4096xf32, #tpu.memory_space<hbm>>
      tpu.enqueue_dma source(%dma_start3A_36 : memref<4096xf32, #tpu.memory_space<hbm>>) target(%arg13 : memref<4096xf32, #tpu.memory_space<vmem>>) target_semaphore(%run_scoped3A : memref<!tpu.dma_semaphore, #tpu.memory_space<semaphore_mem>>)
      %dma_wait3A = tpu.memref_slice %arg3[%mul3A_22] : memref<32768xf32, #tpu.memory_space<hbm>> -> memref<4096xf32, #tpu.memory_space<hbm>>
      %dma_wait3A_37 = tpu.memref_slice %arg3[%mul3A_22] : memref<32768xf32, #tpu.memory_space<hbm>> -> memref<4096xf32, #tpu.memory_space<hbm>>
      tpu.wait_dma2 semaphore(%run_scoped3A : memref<!tpu.dma_semaphore, #tpu.memory_space<semaphore_mem>>) src(%dma_wait3A_37 : memref<4096xf32, #tpu.memory_space<hbm>>) dst(%arg13 : memref<4096xf32, #tpu.memory_space<vmem>>)
      tpu.yield
    }) : () -> ()
    %mul3A_23 = arith.constant 4096 : i32
    %mul3A_24 = arith.muli %select_n3A, %mul3A_23 : i32
    "tpu.region"() ({
      %run_scoped3A = tpu.sem_alloc : memref<!tpu.dma_semaphore, #tpu.memory_space<semaphore_mem>>
      %dma_start3A = tpu.memref_slice %arg4[%mul3A_24] : memref<32768xf32, #tpu.memory_space<hbm>> -> memref<4096xf32, #tpu.memory_space<hbm>>
      %dma_start3A_36 = tpu.memref_slice %arg4[%mul3A_24] : memref<32768xf32, #tpu.memory_space<hbm>> -> memref<4096xf32, #tpu.memory_space<hbm>>
      tpu.enqueue_dma source(%dma_start3A_36 : memref<4096xf32, #tpu.memory_space<hbm>>) target(%arg14 : memref<4096xf32, #tpu.memory_space<vmem>>) target_semaphore(%run_scoped3A : memref<!tpu.dma_semaphore, #tpu.memory_space<semaphore_mem>>)
      %dma_wait3A = tpu.memref_slice %arg4[%mul3A_24] : memref<32768xf32, #tpu.memory_space<hbm>> -> memref<4096xf32, #tpu.memory_space<hbm>>
      %dma_wait3A_37 = tpu.memref_slice %arg4[%mul3A_24] : memref<32768xf32, #tpu.memory_space<hbm>> -> memref<4096xf32, #tpu.memory_space<hbm>>
      tpu.wait_dma2 semaphore(%run_scoped3A : memref<!tpu.dma_semaphore, #tpu.memory_space<semaphore_mem>>) src(%dma_wait3A_37 : memref<4096xf32, #tpu.memory_space<hbm>>) dst(%arg14 : memref<4096xf32, #tpu.memory_space<vmem>>)
      tpu.yield
    }) : () -> ()
    %mul3A_25 = arith.constant 4096 : i32
    %mul3A_26 = arith.muli %select_n3A, %mul3A_25 : i32
    "tpu.region"() ({
      %run_scoped3A = tpu.sem_alloc : memref<!tpu.dma_semaphore, #tpu.memory_space<semaphore_mem>>
      %dma_start3A = tpu.memref_slice %arg5[%mul3A_26] : memref<32768xf32, #tpu.memory_space<hbm>> -> memref<4096xf32, #tpu.memory_space<hbm>>
      %dma_start3A_36 = tpu.memref_slice %arg5[%mul3A_26] : memref<32768xf32, #tpu.memory_space<hbm>> -> memref<4096xf32, #tpu.memory_space<hbm>>
      tpu.enqueue_dma source(%dma_start3A_36 : memref<4096xf32, #tpu.memory_space<hbm>>) target(%arg15 : memref<4096xf32, #tpu.memory_space<vmem>>) target_semaphore(%run_scoped3A : memref<!tpu.dma_semaphore, #tpu.memory_space<semaphore_mem>>)
      %dma_wait3A = tpu.memref_slice %arg5[%mul3A_26] : memref<32768xf32, #tpu.memory_space<hbm>> -> memref<4096xf32, #tpu.memory_space<hbm>>
      %dma_wait3A_37 = tpu.memref_slice %arg5[%mul3A_26] : memref<32768xf32, #tpu.memory_space<hbm>> -> memref<4096xf32, #tpu.memory_space<hbm>>
      tpu.wait_dma2 semaphore(%run_scoped3A : memref<!tpu.dma_semaphore, #tpu.memory_space<semaphore_mem>>) src(%dma_wait3A_37 : memref<4096xf32, #tpu.memory_space<hbm>>) dst(%arg15 : memref<4096xf32, #tpu.memory_space<vmem>>)
      tpu.yield
    }) : () -> ()
    "tpu.region"() ({
      %run_scoped3A = tpu.sem_alloc : memref<!tpu.dma_semaphore, #tpu.memory_space<semaphore_mem>>
      %dma_start3A = arith.constant 0 : i32
      %dma_start3A_36 = tpu.memref_slice %arg16[%dma_start3A] : memref<144xf32, #tpu.memory_space<vmem>> -> memref<128xf32, #tpu.memory_space<vmem>>
      %dma_start3A_37 = tpu.memref_slice %arg6[%mul3A_18] : memref<4096xf32, #tpu.memory_space<hbm>> -> memref<128xf32, #tpu.memory_space<hbm>>
      %dma_start3A_38 = arith.constant 0 : i32
      %dma_start3A_39 = tpu.memref_slice %arg16[%dma_start3A_38] : memref<144xf32, #tpu.memory_space<vmem>> -> memref<128xf32, #tpu.memory_space<vmem>>
      %dma_start3A_40 = tpu.memref_slice %arg6[%mul3A_18] : memref<4096xf32, #tpu.memory_space<hbm>> -> memref<128xf32, #tpu.memory_space<hbm>>
      tpu.enqueue_dma source(%dma_start3A_40 : memref<128xf32, #tpu.memory_space<hbm>>) target(%dma_start3A_39 : memref<128xf32, #tpu.memory_space<vmem>>) target_semaphore(%run_scoped3A : memref<!tpu.dma_semaphore, #tpu.memory_space<semaphore_mem>>)
      %dma_wait3A = arith.constant 0 : i32
      %dma_wait3A_41 = tpu.memref_slice %arg16[%dma_wait3A] : memref<144xf32, #tpu.memory_space<vmem>> -> memref<128xf32, #tpu.memory_space<vmem>>
      %dma_wait3A_42 = tpu.memref_slice %arg6[%mul3A_18] : memref<4096xf32, #tpu.memory_space<hbm>> -> memref<128xf32, #tpu.memory_space<hbm>>
      %dma_wait3A_43 = arith.constant 0 : i32
      %dma_wait3A_44 = tpu.memref_slice %arg16[%dma_wait3A_43] : memref<144xf32, #tpu.memory_space<vmem>> -> memref<128xf32, #tpu.memory_space<vmem>>
      %dma_wait3A_45 = tpu.memref_slice %arg6[%mul3A_18] : memref<4096xf32, #tpu.memory_space<hbm>> -> memref<128xf32, #tpu.memory_space<hbm>>
      tpu.wait_dma2 semaphore(%run_scoped3A : memref<!tpu.dma_semaphore, #tpu.memory_space<semaphore_mem>>) src(%dma_wait3A_45 : memref<128xf32, #tpu.memory_space<hbm>>) dst(%dma_wait3A_44 : memref<128xf32, #tpu.memory_space<vmem>>)
      tpu.yield
    }) : () -> ()
    "tpu.region"() ({
      %run_scoped3A = tpu.sem_alloc : memref<!tpu.dma_semaphore, #tpu.memory_space<semaphore_mem>>
      %dma_start3A = arith.constant 0 : i32
      %dma_start3A_36 = tpu.memref_slice %arg17[%dma_start3A] : memref<144xf32, #tpu.memory_space<vmem>> -> memref<128xf32, #tpu.memory_space<vmem>>
      %dma_start3A_37 = tpu.memref_slice %arg7[%mul3A_18] : memref<4096xf32, #tpu.memory_space<hbm>> -> memref<128xf32, #tpu.memory_space<hbm>>
      %dma_start3A_38 = arith.constant 0 : i32
      %dma_start3A_39 = tpu.memref_slice %arg17[%dma_start3A_38] : memref<144xf32, #tpu.memory_space<vmem>> -> memref<128xf32, #tpu.memory_space<vmem>>
      %dma_start3A_40 = tpu.memref_slice %arg7[%mul3A_18] : memref<4096xf32, #tpu.memory_space<hbm>> -> memref<128xf32, #tpu.memory_space<hbm>>
      tpu.enqueue_dma source(%dma_start3A_40 : memref<128xf32, #tpu.memory_space<hbm>>) target(%dma_start3A_39 : memref<128xf32, #tpu.memory_space<vmem>>) target_semaphore(%run_scoped3A : memref<!tpu.dma_semaphore, #tpu.memory_space<semaphore_mem>>)
      %dma_wait3A = arith.constant 0 : i32
      %dma_wait3A_41 = tpu.memref_slice %arg17[%dma_wait3A] : memref<144xf32, #tpu.memory_space<vmem>> -> memref<128xf32, #tpu.memory_space<vmem>>
      %dma_wait3A_42 = tpu.memref_slice %arg7[%mul3A_18] : memref<4096xf32, #tpu.memory_space<hbm>> -> memref<128xf32, #tpu.memory_space<hbm>>
      %dma_wait3A_43 = arith.constant 0 : i32
      %dma_wait3A_44 = tpu.memref_slice %arg17[%dma_wait3A_43] : memref<144xf32, #tpu.memory_space<vmem>> -> memref<128xf32, #tpu.memory_space<vmem>>
      %dma_wait3A_45 = tpu.memref_slice %arg7[%mul3A_18] : memref<4096xf32, #tpu.memory_space<hbm>> -> memref<128xf32, #tpu.memory_space<hbm>>
      tpu.wait_dma2 semaphore(%run_scoped3A : memref<!tpu.dma_semaphore, #tpu.memory_space<semaphore_mem>>) src(%dma_wait3A_45 : memref<128xf32, #tpu.memory_space<hbm>>) dst(%dma_wait3A_44 : memref<128xf32, #tpu.memory_space<vmem>>)
      tpu.yield
    }) : () -> ()
    "tpu.region"() ({
      %run_scoped3A = tpu.sem_alloc : memref<!tpu.dma_semaphore, #tpu.memory_space<semaphore_mem>>
      %dma_start3A = arith.constant 0 : i32
      %dma_start3A_36 = tpu.memref_slice %arg18[%dma_start3A] : memref<144xf32, #tpu.memory_space<vmem>> -> memref<128xf32, #tpu.memory_space<vmem>>
      %dma_start3A_37 = tpu.memref_slice %arg8[%mul3A_18] : memref<4096xf32, #tpu.memory_space<hbm>> -> memref<128xf32, #tpu.memory_space<hbm>>
      %dma_start3A_38 = arith.constant 0 : i32
      %dma_start3A_39 = tpu.memref_slice %arg18[%dma_start3A_38] : memref<144xf32, #tpu.memory_space<vmem>> -> memref<128xf32, #tpu.memory_space<vmem>>
      %dma_start3A_40 = tpu.memref_slice %arg8[%mul3A_18] : memref<4096xf32, #tpu.memory_space<hbm>> -> memref<128xf32, #tpu.memory_space<hbm>>
      tpu.enqueue_dma source(%dma_start3A_40 : memref<128xf32, #tpu.memory_space<hbm>>) target(%dma_start3A_39 : memref<128xf32, #tpu.memory_space<vmem>>) target_semaphore(%run_scoped3A : memref<!tpu.dma_semaphore, #tpu.memory_space<semaphore_mem>>)
      %dma_wait3A = arith.constant 0 : i32
      %dma_wait3A_41 = tpu.memref_slice %arg18[%dma_wait3A] : memref<144xf32, #tpu.memory_space<vmem>> -> memref<128xf32, #tpu.memory_space<vmem>>
      %dma_wait3A_42 = tpu.memref_slice %arg8[%mul3A_18] : memref<4096xf32, #tpu.memory_space<hbm>> -> memref<128xf32, #tpu.memory_space<hbm>>
      %dma_wait3A_43 = arith.constant 0 : i32
      %dma_wait3A_44 = tpu.memref_slice %arg18[%dma_wait3A_43] : memref<144xf32, #tpu.memory_space<vmem>> -> memref<128xf32, #tpu.memory_space<vmem>>
      %dma_wait3A_45 = tpu.memref_slice %arg8[%mul3A_18] : memref<4096xf32, #tpu.memory_space<hbm>> -> memref<128xf32, #tpu.memory_space<hbm>>
      tpu.wait_dma2 semaphore(%run_scoped3A : memref<!tpu.dma_semaphore, #tpu.memory_space<semaphore_mem>>) src(%dma_wait3A_45 : memref<128xf32, #tpu.memory_space<hbm>>) dst(%dma_wait3A_44 : memref<128xf32, #tpu.memory_space<vmem>>)
      tpu.yield
    }) : () -> ()
    "tpu.region"() ({
      %run_scoped3A = tpu.sem_alloc : memref<!tpu.dma_semaphore, #tpu.memory_space<semaphore_mem>>
      %dma_start3A = arith.constant 0 : i32
      %dma_start3A_36 = tpu.memref_slice %arg19[%dma_start3A] : memref<144xf32, #tpu.memory_space<vmem>> -> memref<128xf32, #tpu.memory_space<vmem>>
      %dma_start3A_37 = tpu.memref_slice %arg9[%mul3A_18] : memref<4096xf32, #tpu.memory_space<hbm>> -> memref<128xf32, #tpu.memory_space<hbm>>
      %dma_start3A_38 = arith.constant 0 : i32
      %dma_start3A_39 = tpu.memref_slice %arg19[%dma_start3A_38] : memref<144xf32, #tpu.memory_space<vmem>> -> memref<128xf32, #tpu.memory_space<vmem>>
      %dma_start3A_40 = tpu.memref_slice %arg9[%mul3A_18] : memref<4096xf32, #tpu.memory_space<hbm>> -> memref<128xf32, #tpu.memory_space<hbm>>
      tpu.enqueue_dma source(%dma_start3A_40 : memref<128xf32, #tpu.memory_space<hbm>>) target(%dma_start3A_39 : memref<128xf32, #tpu.memory_space<vmem>>) target_semaphore(%run_scoped3A : memref<!tpu.dma_semaphore, #tpu.memory_space<semaphore_mem>>)
      %dma_wait3A = arith.constant 0 : i32
      %dma_wait3A_41 = tpu.memref_slice %arg19[%dma_wait3A] : memref<144xf32, #tpu.memory_space<vmem>> -> memref<128xf32, #tpu.memory_space<vmem>>
      %dma_wait3A_42 = tpu.memref_slice %arg9[%mul3A_18] : memref<4096xf32, #tpu.memory_space<hbm>> -> memref<128xf32, #tpu.memory_space<hbm>>
      %dma_wait3A_43 = arith.constant 0 : i32
      %dma_wait3A_44 = tpu.memref_slice %arg19[%dma_wait3A_43] : memref<144xf32, #tpu.memory_space<vmem>> -> memref<128xf32, #tpu.memory_space<vmem>>
      %dma_wait3A_45 = tpu.memref_slice %arg9[%mul3A_18] : memref<4096xf32, #tpu.memory_space<hbm>> -> memref<128xf32, #tpu.memory_space<hbm>>
      tpu.wait_dma2 semaphore(%run_scoped3A : memref<!tpu.dma_semaphore, #tpu.memory_space<semaphore_mem>>) src(%dma_wait3A_45 : memref<128xf32, #tpu.memory_space<hbm>>) dst(%dma_wait3A_44 : memref<128xf32, #tpu.memory_space<vmem>>)
      tpu.yield
    }) : () -> ()
    %iota3A = tpu.iota {dimensions = array<i32: 0>} : vector<16xi32>
    %mul3A_27 = arith.constant 4096 : i32
    %mul3A_28 = arith.muli %select_n3A, %mul3A_27 : i32
    %scan3A = arith.constant 2147483647 : i32
    %scan3A_29 = arith.constant 0 : i32
    %scan3A_30 = arith.constant 0 : i32
    %scan3A_31 = arith.constant 8 : i32
    %scan3A_32 = arith.addi %scan3A_30, %scan3A_31 : i32
    %scan3A_33 = arith.constant 1 : i32
    %scan3A_34 = scf.for %scan3A_36 = %scan3A_30 to %scan3A_32 step %scan3A_33 iter_args(%scan3A_37 = %scan3A_29) -> (i32)  : i32 {
      %scan3A_38 = arith.constant 0 : i32
      %scan3A_39 = arith.constant 0 : i32
      %scan3A_40 = arith.constant 16 : i32
      %scan3A_41 = arith.addi %scan3A_39, %scan3A_40 : i32
      %scan3A_42 = arith.constant 1 : i32
      %scan3A_43 = scf.for %scan3A_129 = %scan3A_39 to %scan3A_41 step %scan3A_42 iter_args(%scan3A_130 = %scan3A_38) -> (i32)  : i32 {
        %mul3A_131 = arith.constant 16 : i32
        %mul3A_132 = arith.muli %scan3A_36, %mul3A_131 : i32
        %add3A_133 = arith.addi %mul3A_132, %scan3A_129 : i32
        %get3A = arith.index_cast %add3A_133 : i32 to index
        %get3A_134 = tpu.vector_load %arg16[%get3A] {strides = array<i32>} : memref<144xf32, #tpu.memory_space<vmem>>, vector<16xf32>,
        %slice3A = vector.extract_strided_slice %get3A_134 {offsets = [0], sizes = [1], strides = [1]} : vector<16xf32> to vector<1xf32>
        %squeeze3A = vector.extract %slice3A[0] : f32 from vector<1xf32>
        %get3A_135 = arith.index_cast %add3A_133 : i32 to index
        %get3A_136 = tpu.vector_load %arg17[%get3A_135] {strides = array<i32>} : memref<144xf32, #tpu.memory_space<vmem>>, vector<16xf32>,
        %slice3A_137 = vector.extract_strided_slice %get3A_136 {offsets = [0], sizes = [1], strides = [1]} : vector<16xf32> to vector<1xf32>
        %squeeze3A_138 = vector.extract %slice3A_137[0] : f32 from vector<1xf32>
        %get3A_139 = arith.index_cast %add3A_133 : i32 to index
        %get3A_140 = tpu.vector_load %arg18[%get3A_139] {strides = array<i32>} : memref<144xf32, #tpu.memory_space<vmem>>, vector<16xf32>,
        %slice3A_141 = vector.extract_strided_slice %get3A_140 {offsets = [0], sizes = [1], strides = [1]} : vector<16xf32> to vector<1xf32>
        %squeeze3A_142 = vector.extract %slice3A_141[0] : f32 from vector<1xf32>
        %get3A_143 = arith.index_cast %add3A_133 : i32 to index
        %get3A_144 = tpu.vector_load %arg19[%get3A_143] {strides = array<i32>} : memref<144xf32, #tpu.memory_space<vmem>>, vector<16xf32>,
        %slice3A_145 = vector.extract_strided_slice %get3A_144 {offsets = [0], sizes = [1], strides = [1]} : vector<16xf32> to vector<1xf32>
        %squeeze3A_146 = vector.extract %slice3A_145[0] : f32 from vector<1xf32>
        %scan3A_147 = arith.constant 0 : i32
        %scan3A_148 = arith.constant 0 : i32
        %scan3A_149 = arith.constant 256 : i32
        %scan3A_150 = arith.addi %scan3A_148, %scan3A_149 : i32
        %scan3A_151 = arith.constant 1 : i32
        %scan3A_152 = scf.for %scan3A_247 = %scan3A_148 to %scan3A_150 step %scan3A_151 iter_args(%scan3A_248 = %scan3A_147) -> (i32)  : i32 {
          %mul3A_249 = arith.constant 16 : i32
          %mul3A_250 = arith.muli %scan3A_247, %mul3A_249 : i32
          %get3A_251 = arith.index_cast %mul3A_250 : i32 to index
          %get3A_252 = tpu.vector_load %arg12[%get3A_251] {strides = array<i32>} : memref<4096xf32, #tpu.memory_space<vmem>>, vector<16xf32>,
          %get3A_253 = arith.index_cast %mul3A_250 : i32 to index
          %get3A_254 = tpu.vector_load %arg13[%get3A_253] {strides = array<i32>} : memref<4096xf32, #tpu.memory_space<vmem>>, vector<16xf32>,
          %get3A_255 = arith.index_cast %mul3A_250 : i32 to index
          %get3A_256 = tpu.vector_load %arg14[%get3A_255] {strides = array<i32>} : memref<4096xf32, #tpu.memory_space<vmem>>, vector<16xf32>,
          %get3A_257 = arith.index_cast %mul3A_250 : i32 to index
          %get3A_258 = tpu.vector_load %arg15[%get3A_257] {strides = array<i32>} : memref<4096xf32, #tpu.memory_space<vmem>>, vector<16xf32>,
          %mul3A_259 = vector.broadcast %squeeze3A : f32 to vector<16xf32>
          %mul3A_260 = arith.mulf %get3A_252, %mul3A_259 : vector<16xf32>
          %mul3A_261 = vector.broadcast %squeeze3A_138 : f32 to vector<16xf32>
          %mul3A_262 = arith.mulf %get3A_254, %mul3A_261 : vector<16xf32>
          %add3A_263 = arith.addf %mul3A_260, %mul3A_262 : vector<16xf32>
          %mul3A_264 = vector.broadcast %squeeze3A_142 : f32 to vector<16xf32>
          %mul3A_265 = arith.mulf %get3A_256, %mul3A_264 : vector<16xf32>
          %add3A_266 = arith.addf %add3A_263, %mul3A_265 : vector<16xf32>
          %add3A_267 = vector.broadcast %squeeze3A_146 : f32 to vector<16xf32>
          %add3A_268 = arith.addf %add3A_267, %get3A_258 : vector<16xf32>
          %mul3A_269 = arith.constant 2.000000e+00 : f32
          %mul3A_270 = vector.broadcast %mul3A_269 : f32 to vector<16xf32>
          %mul3A_271 = arith.mulf %mul3A_270, %add3A_266 : vector<16xf32>
          %sub3A_272 = arith.subf %add3A_268, %mul3A_271 : vector<16xf32>
          %le3A = arith.constant 4.000000e-02 : f32
          %le3A_273 = vector.broadcast %le3A : f32 to vector<16xf32>
          %le3A_274 = arith.cmpf ole, %sub3A_272, %le3A_273 : vector<16xf32>
          %add3A_275 = vector.broadcast %mul3A_250 : i32 to vector<16xi32>
          %add3A_276 = arith.addi %iota3A, %add3A_275 : vector<16xi32>
          %broadcast_in_dim3A_277 = vector.broadcast %scan3A : i32 to vector<16xi32>
          %select_n3A_278 = arith.select %le3A_274, %add3A_276, %broadcast_in_dim3A_277 : vector<16xi1>, vector<16xi32>
          %sort3A = arith.constant dense<true> : vector<16xi1>
          %sort3A_279, %sort3A_280, %sort3A_281 = tpu.sort %select_n3A_278, %select_n3A_278 masked %sort3A : (vector<16xi32>, vector<16xi32>, vector<16xi1>) -> (vector<16xi1>, vector<16xi32>, vector<16xi32>)
          %min3A = arith.constant 32 : i32
          %min3A_282 = arith.minsi %scan3A_248, %min3A : i32
          %swap3A_283 = arith.index_cast %min3A_282 : i32 to index
          %swap3A_284 = tpu.vector_load %arg20[%swap3A_283] {strides = array<i32>} : memref<48xi32, #tpu.memory_space<vmem>>, vector<16xi32>,
          tpu.vector_store %arg20[%swap3A_283], %sort3A_280 {strides = array<i32>} : memref<48xi32, #tpu.memory_space<vmem>>, vector<16xi32>,
          %all_reduce_population_count3A = tpu.all_reduce %le3A_274 {dim = 0 : i64, kind = #tpu.reduction_kind<sum>} : vector<16xi1> -> vector<16xi32>
          %slice3A_285 = vector.extract_strided_slice %all_reduce_population_count3A {offsets = [0], sizes = [1], strides = [1]} : vector<16xi32> to vector<1xi32>
          %squeeze3A_286 = vector.extract %slice3A_285[0] : i32 from vector<1xi32>
          %add3A_287 = arith.addi %scan3A_248, %squeeze3A_286 : i32
          scf.yield %add3A_287 : i32
        }
        %scan3A_153 = arith.constant 256 : i32
        %get3A_154 = arith.constant 0 : index
        %get3A_155 = tpu.vector_load %arg20[%get3A_154] {strides = array<i32>} : memref<48xi32, #tpu.memory_space<vmem>>, vector<16xi32>,
        %slice3A_156 = vector.extract_strided_slice %get3A_155 {offsets = [0], sizes = [1], strides = [1]} : vector<16xi32> to vector<1xi32>
        %squeeze3A_157 = vector.extract %slice3A_156[0] : i32 from vector<1xi32>
        %gt3A = arith.constant 0 : i32
        %gt3A_158 = arith.cmpi sgt, %scan3A_152, %gt3A : i32
        %jit3A_159 = arith.constant 4095 : i32
        %select_n3A_160 = arith.select %gt3A_158, %squeeze3A_157, %jit3A_159 : i32
        %get3A_161 = arith.constant 0 : index
        %get3A_162 = tpu.vector_load %arg20[%get3A_161] {strides = array<i32>} : memref<48xi32, #tpu.memory_space<vmem>>, vector<16xi32>,
        %add3A_163 = arith.constant 0 : i32
        %add3A_164 = vector.broadcast %add3A_163 : i32 to vector<16xi32>
        %add3A_165 = arith.addi %iota3A, %add3A_164 : vector<16xi32>
        %lt3A = vector.broadcast %scan3A_152 : i32 to vector<16xi32>
        %lt3A_166 = arith.cmpi slt, %add3A_165, %lt3A : vector<16xi32>
        %broadcast_in_dim3A = vector.broadcast %select_n3A_160 : i32 to vector<16xi32>
        %select_n3A_167 = arith.select %lt3A_166, %get3A_162, %broadcast_in_dim3A : vector<16xi1>, vector<16xi32>
        %add3A_168 = vector.broadcast %mul3A_28 : i32 to vector<16xi32>
        %add3A_169 = arith.addi %select_n3A_167, %add3A_168 : vector<16xi32>
        %mul3A_170 = arith.constant 32 : i32
        %mul3A_171 = arith.muli %scan3A_129, %mul3A_170 : i32
        %add3A_172 = arith.constant 0 : i32
        %add3A_173 = arith.addi %mul3A_171, %add3A_172 : i32
        %jit3A_174 = arith.constant 128 : i32
        %div3A_175 = arith.divsi %add3A_173, %jit3A_174 : i32
        %sign3A_176 = arith.constant 0 : i32
        %sign3A_177 = arith.cmpi sgt, %add3A_173, %sign3A_176 : i32
        %sign3A_178 = arith.extui %sign3A_177 : i1 to i32
        %sign3A_179 = arith.constant 0 : i32
        %sign3A_180 = arith.cmpi slt, %add3A_173, %sign3A_179 : i32
        %sign3A_181 = arith.extui %sign3A_180 : i1 to i32
        %sign3A_182 = arith.subi %sign3A_178, %sign3A_181 : i32
        %sign3A_183 = arith.constant 0 : i32
        %sign3A_184 = arith.cmpi sgt, %jit3A_174, %sign3A_183 : i32
        %sign3A_185 = arith.extui %sign3A_184 : i1 to i32
        %sign3A_186 = arith.constant 0 : i32
        %sign3A_187 = arith.cmpi slt, %jit3A_174, %sign3A_186 : i32
        %sign3A_188 = arith.extui %sign3A_187 : i1 to i32
        %sign3A_189 = arith.subi %sign3A_185, %sign3A_188 : i32
        %ne3A_190 = arith.cmpi ne, %sign3A_182, %sign3A_189 : i32
        %rem3A_191 = arith.remsi %add3A_173, %jit3A_174 : i32
        %ne3A_192 = arith.constant 0 : i32
        %ne3A_193 = arith.cmpi ne, %rem3A_191, %ne3A_192 : i32
        %and3A_194 = arith.andi %ne3A_190, %ne3A_193 : i1
        %sub3A_195 = arith.constant 1 : i32
        %sub3A_196 = arith.subi %div3A_175, %sub3A_195 : i32
        %select_n3A_197 = arith.select %and3A_194, %sub3A_196, %div3A_175 : i32
        %rem3A_198 = arith.constant 128 : i32
        %rem3A_199 = arith.remsi %add3A_173, %rem3A_198 : i32
        %swap3A = arith.index_cast %select_n3A_197 : i32 to index
        %swap3A_200 = arith.index_cast %rem3A_199 : i32 to index
        %swap3A_201 = tpu.vector_load %arg21[%swap3A, %swap3A_200] {strides = array<i32>} : memref<4x128xi32, #tpu.memory_space<vmem>>, vector<16xi32>,
        tpu.vector_store %arg21[%swap3A, %swap3A_200], %add3A_169 {strides = array<i32>} : memref<4x128xi32, #tpu.memory_space<vmem>>, vector<16xi32>,
        %get3A_202 = arith.constant 16 : index
        %get3A_203 = tpu.vector_load %arg20[%get3A_202] {strides = array<i32>} : memref<48xi32, #tpu.memory_space<vmem>>, vector<16xi32>,
        %add3A_204 = arith.constant 16 : i32
        %add3A_205 = vector.broadcast %add3A_204 : i32 to vector<16xi32>
        %add3A_206 = arith.addi %iota3A, %add3A_205 : vector<16xi32>
        %lt3A_207 = vector.broadcast %scan3A_152 : i32 to vector<16xi32>
        %lt3A_208 = arith.cmpi slt, %add3A_206, %lt3A_207 : vector<16xi32>
        %broadcast_in_dim3A_209 = vector.broadcast %select_n3A_160 : i32 to vector<16xi32>
        %select_n3A_210 = arith.select %lt3A_208, %get3A_203, %broadcast_in_dim3A_209 : vector<16xi1>, vector<16xi32>
        %add3A_211 = vector.broadcast %mul3A_28 : i32 to vector<16xi32>
        %add3A_212 = arith.addi %select_n3A_210, %add3A_211 : vector<16xi32>
        %mul3A_213 = arith.constant 32 : i32
        %mul3A_214 = arith.muli %scan3A_129, %mul3A_213 : i32
        %add3A_215 = arith.constant 16 : i32
        %add3A_216 = arith.addi %mul3A_214, %add3A_215 : i32
        %jit3A_217 = arith.constant 128 : i32
        %div3A_218 = arith.divsi %add3A_216, %jit3A_217 : i32
        %sign3A_219 = arith.constant 0 : i32
        %sign3A_220 = arith.cmpi sgt, %add3A_216, %sign3A_219 : i32
        %sign3A_221 = arith.extui %sign3A_220 : i1 to i32
        %sign3A_222 = arith.constant 0 : i32
        %sign3A_223 = arith.cmpi slt, %add3A_216, %sign3A_222 : i32
        %sign3A_224 = arith.extui %sign3A_223 : i1 to i32
        %sign3A_225 = arith.subi %sign3A_221, %sign3A_224 : i32
        %sign3A_226 = arith.constant 0 : i32
        %sign3A_227 = arith.cmpi sgt, %jit3A_217, %sign3A_226 : i32
        %sign3A_228 = arith.extui %sign3A_227 : i1 to i32
        %sign3A_229 = arith.constant 0 : i32
        %sign3A_230 = arith.cmpi slt, %jit3A_217, %sign3A_229 : i32
        %sign3A_231 = arith.extui %sign3A_230 : i1 to i32
        %sign3A_232 = arith.subi %sign3A_228, %sign3A_231 : i32
        %ne3A_233 = arith.cmpi ne, %sign3A_225, %sign3A_232 : i32
        %rem3A_234 = arith.remsi %add3A_216, %jit3A_217 : i32
        %ne3A_235 = arith.constant 0 : i32
        %ne3A_236 = arith.cmpi ne, %rem3A_234, %ne3A_235 : i32
        %and3A_237 = arith.andi %ne3A_233, %ne3A_236 : i1
        %sub3A_238 = arith.constant 1 : i32
        %sub3A_239 = arith.subi %div3A_218, %sub3A_238 : i32
        %select_n3A_240 = arith.select %and3A_237, %sub3A_239, %div3A_218 : i32
        %rem3A_241 = arith.constant 128 : i32
        %rem3A_242 = arith.remsi %add3A_216, %rem3A_241 : i32
        %swap3A_243 = arith.index_cast %select_n3A_240 : i32 to index
        %swap3A_244 = arith.index_cast %rem3A_242 : i32 to index
        %swap3A_245 = tpu.vector_load %arg21[%swap3A_243, %swap3A_244] {strides = array<i32>} : memref<4x128xi32, #tpu.memory_space<vmem>>, vector<16xi32>,
        tpu.vector_store %arg21[%swap3A_243, %swap3A_244], %add3A_212 {strides = array<i32>} : memref<4x128xi32, #tpu.memory_space<vmem>>, vector<16xi32>,
        %scan3A_246 = arith.constant 0 : i32
        scf.yield %scan3A_246 : i32
      }
      %scan3A_44 = arith.constant 16 : i32
      %dma_start3A = arith.constant 0 : i32
      %dma_start3A_45 = arith.constant 0 : i32
      %dma_start3A_46 = arith.constant 0 : i32
      %dma_start3A_47 = tpu.memref_slice %arg22[%dma_start3A_45, %dma_start3A_46] : memref<512x80xf32, #tpu.memory_space<vmem>> -> memref<128x80xf32, #tpu.memory_space<vmem>>
      %dma_start3A_48 = arith.constant 0 : i32
      %dma_start3A_49 = tpu.memref_slice %arg21[%dma_start3A, %dma_start3A_48] : memref<4x128xi32, #tpu.memory_space<vmem>> -> memref<1x128xi32, #tpu.memory_space<vmem>>
      %dma_start3A_50 = tpu.memref_squeeze %dma_start3A_49 : memref<1x128xi32, #tpu.memory_space<vmem>> -> memref<128xi32, #tpu.memory_space<vmem>>
      %dma_start3A_51 = arith.constant 0 : i32
      %dma_start3A_52 = arith.constant 0 : i32
      %dma_start3A_53 = tpu.memref_slice %arg10[%dma_start3A_51, %dma_start3A_52] : memref<32768x80xf32, #tpu.memory_space<hbm>> -> memref<32768x80xf32, #tpu.memory_space<hbm>>
      tpu.enqueue_indirect_dma source(%dma_start3A_53 : memref<32768x80xf32, #tpu.memory_space<hbm>>) target(%dma_start3A_47 : memref<128x80xf32, #tpu.memory_space<vmem>>) offsets(%dma_start3A_50 : memref<128xi32, #tpu.memory_space<vmem>>) semaphore(%arg23 : memref<!tpu.dma_semaphore, #tpu.memory_space<semaphore_mem>>)
      %dma_start3A_54 = arith.constant 1 : i32
      %dma_start3A_55 = arith.constant 128 : i32
      %dma_start3A_56 = arith.constant 0 : i32
      %dma_start3A_57 = tpu.memref_slice %arg22[%dma_start3A_55, %dma_start3A_56] : memref<512x80xf32, #tpu.memory_space<vmem>> -> memref<128x80xf32, #tpu.memory_space<vmem>>
      %dma_start3A_58 = arith.constant 0 : i32
      %dma_start3A_59 = tpu.memref_slice %arg21[%dma_start3A_54, %dma_start3A_58] : memref<4x128xi32, #tpu.memory_space<vmem>> -> memref<1x128xi32, #tpu.memory_space<vmem>>
      %dma_start3A_60 = tpu.memref_squeeze %dma_start3A_59 : memref<1x128xi32, #tpu.memory_space<vmem>> -> memref<128xi32, #tpu.memory_space<vmem>>
      %dma_start3A_61 = arith.constant 0 : i32
      %dma_start3A_62 = arith.constant 0 : i32
      %dma_start3A_63 = tpu.memref_slice %arg10[%dma_start3A_61, %dma_start3A_62] : memref<32768x80xf32, #tpu.memory_space<hbm>> -> memref<32768x80xf32, #tpu.memory_space<hbm>>
      tpu.enqueue_indirect_dma source(%dma_start3A_63 : memref<32768x80xf32, #tpu.memory_space<hbm>>) target(%dma_start3A_57 : memref<128x80xf32, #tpu.memory_space<vmem>>) offsets(%dma_start3A_60 : memref<128xi32, #tpu.memory_space<vmem>>) semaphore(%arg23 : memref<!tpu.dma_semaphore, #tpu.memory_space<semaphore_mem>>)
      %dma_start3A_64 = arith.constant 2 : i32
      %dma_start3A_65 = arith.constant 256 : i32
      %dma_start3A_66 = arith.constant 0 : i32
      %dma_start3A_67 = tpu.memref_slice %arg22[%dma_start3A_65, %dma_start3A_66] : memref<512x80xf32, #tpu.memory_space<vmem>> -> memref<128x80xf32, #tpu.memory_space<vmem>>
      %dma_start3A_68 = arith.constant 0 : i32
      %dma_start3A_69 = tpu.memref_slice %arg21[%dma_start3A_64, %dma_start3A_68] : memref<4x128xi32, #tpu.memory_space<vmem>> -> memref<1x128xi32, #tpu.memory_space<vmem>>
      %dma_start3A_70 = tpu.memref_squeeze %dma_start3A_69 : memref<1x128xi32, #tpu.memory_space<vmem>> -> memref<128xi32, #tpu.memory_space<vmem>>
      %dma_start3A_71 = arith.constant 0 : i32
      %dma_start3A_72 = arith.constant 0 : i32
      %dma_start3A_73 = tpu.memref_slice %arg10[%dma_start3A_71, %dma_start3A_72] : memref<32768x80xf32, #tpu.memory_space<hbm>> -> memref<32768x80xf32, #tpu.memory_space<hbm>>
      tpu.enqueue_indirect_dma source(%dma_start3A_73 : memref<32768x80xf32, #tpu.memory_space<hbm>>) target(%dma_start3A_67 : memref<128x80xf32, #tpu.memory_space<vmem>>) offsets(%dma_start3A_70 : memref<128xi32, #tpu.memory_space<vmem>>) semaphore(%arg23 : memref<!tpu.dma_semaphore, #tpu.memory_space<semaphore_mem>>)
      %dma_start3A_74 = arith.constant 3 : i32
      %dma_start3A_75 = arith.constant 384 : i32
      %dma_start3A_76 = arith.constant 0 : i32
      %dma_start3A_77 = tpu.memref_slice %arg22[%dma_start3A_75, %dma_start3A_76] : memref<512x80xf32, #tpu.memory_space<vmem>> -> memref<128x80xf32, #tpu.memory_space<vmem>>
      %dma_start3A_78 = arith.constant 0 : i32
      %dma_start3A_79 = tpu.memref_slice %arg21[%dma_start3A_74, %dma_start3A_78] : memref<4x128xi32, #tpu.memory_space<vmem>> -> memref<1x128xi32, #tpu.memory_space<vmem>>
      %dma_start3A_80 = tpu.memref_squeeze %dma_start3A_79 : memref<1x128xi32, #tpu.memory_space<vmem>> -> memref<128xi32, #tpu.memory_space<vmem>>
      %dma_start3A_81 = arith.constant 0 : i32
      %dma_start3A_82 = arith.constant 0 : i32
      %dma_start3A_83 = tpu.memref_slice %arg10[%dma_start3A_81, %dma_start3A_82] : memref<32768x80xf32, #tpu.memory_space<hbm>> -> memref<32768x80xf32, #tpu.memory_space<hbm>>
      tpu.enqueue_indirect_dma source(%dma_start3A_83 : memref<32768x80xf32, #tpu.memory_space<hbm>>) target(%dma_start3A_77 : memref<128x80xf32, #tpu.memory_space<vmem>>) offsets(%dma_start3A_80 : memref<128xi32, #tpu.memory_space<vmem>>) semaphore(%arg23 : memref<!tpu.dma_semaphore, #tpu.memory_space<semaphore_mem>>)
      %dma_wait3A = arith.constant 0 : i32
      %dma_wait3A_84 = arith.constant 0 : i32
      %dma_wait3A_85 = arith.constant 0 : i32
      %dma_wait3A_86 = tpu.memref_slice %arg22[%dma_wait3A_84, %dma_wait3A_85] : memref<512x80xf32, #tpu.memory_space<vmem>> -> memref<128x80xf32, #tpu.memory_space<vmem>>
      %dma_wait3A_87 = arith.constant 0 : i32
      %dma_wait3A_88 = tpu.memref_slice %arg21[%dma_wait3A, %dma_wait3A_87] : memref<4x128xi32, #tpu.memory_space<vmem>> -> memref<1x128xi32, #tpu.memory_space<vmem>>
      %dma_wait3A_89 = tpu.memref_squeeze %dma_wait3A_88 : memref<1x128xi32, #tpu.memory_space<vmem>> -> memref<128xi32, #tpu.memory_space<vmem>>
      %dma_wait3A_90 = arith.constant 0 : i32
      %dma_wait3A_91 = arith.constant 0 : i32
      %dma_wait3A_92 = tpu.memref_slice %arg10[%dma_wait3A_90, %dma_wait3A_91] : memref<32768x80xf32, #tpu.memory_space<hbm>> -> memref<32768x80xf32, #tpu.memory_space<hbm>>
      tpu.wait_indirect_dma semaphore(%arg23 : memref<!tpu.dma_semaphore, #tpu.memory_space<semaphore_mem>>) src(%dma_wait3A_92 : memref<32768x80xf32, #tpu.memory_space<hbm>>) dst(%dma_wait3A_86 : memref<128x80xf32, #tpu.memory_space<vmem>>)
      %dma_wait3A_93 = arith.constant 1 : i32
      %dma_wait3A_94 = arith.constant 128 : i32
      %dma_wait3A_95 = arith.constant 0 : i32
      %dma_wait3A_96 = tpu.memref_slice %arg22[%dma_wait3A_94, %dma_wait3A_95] : memref<512x80xf32, #tpu.memory_space<vmem>> -> memref<128x80xf32, #tpu.memory_space<vmem>>
      %dma_wait3A_97 = arith.constant 0 : i32
      %dma_wait3A_98 = tpu.memref_slice %arg21[%dma_wait3A_93, %dma_wait3A_97] : memref<4x128xi32, #tpu.memory_space<vmem>> -> memref<1x128xi32, #tpu.memory_space<vmem>>
      %dma_wait3A_99 = tpu.memref_squeeze %dma_wait3A_98 : memref<1x128xi32, #tpu.memory_space<vmem>> -> memref<128xi32, #tpu.memory_space<vmem>>
      %dma_wait3A_100 = arith.constant 0 : i32
      %dma_wait3A_101 = arith.constant 0 : i32
      %dma_wait3A_102 = tpu.memref_slice %arg10[%dma_wait3A_100, %dma_wait3A_101] : memref<32768x80xf32, #tpu.memory_space<hbm>> -> memref<32768x80xf32, #tpu.memory_space<hbm>>
      tpu.wait_indirect_dma semaphore(%arg23 : memref<!tpu.dma_semaphore, #tpu.memory_space<semaphore_mem>>) src(%dma_wait3A_102 : memref<32768x80xf32, #tpu.memory_space<hbm>>) dst(%dma_wait3A_96 : memref<128x80xf32, #tpu.memory_space<vmem>>)
      %dma_wait3A_103 = arith.constant 2 : i32
      %dma_wait3A_104 = arith.constant 256 : i32
      %dma_wait3A_105 = arith.constant 0 : i32
      %dma_wait3A_106 = tpu.memref_slice %arg22[%dma_wait3A_104, %dma_wait3A_105] : memref<512x80xf32, #tpu.memory_space<vmem>> -> memref<128x80xf32, #tpu.memory_space<vmem>>
      %dma_wait3A_107 = arith.constant 0 : i32
      %dma_wait3A_108 = tpu.memref_slice %arg21[%dma_wait3A_103, %dma_wait3A_107] : memref<4x128xi32, #tpu.memory_space<vmem>> -> memref<1x128xi32, #tpu.memory_space<vmem>>
      %dma_wait3A_109 = tpu.memref_squeeze %dma_wait3A_108 : memref<1x128xi32, #tpu.memory_space<vmem>> -> memref<128xi32, #tpu.memory_space<vmem>>
      %dma_wait3A_110 = arith.constant 0 : i32
      %dma_wait3A_111 = arith.constant 0 : i32
      %dma_wait3A_112 = tpu.memref_slice %arg10[%dma_wait3A_110, %dma_wait3A_111] : memref<32768x80xf32, #tpu.memory_space<hbm>> -> memref<32768x80xf32, #tpu.memory_space<hbm>>
      tpu.wait_indirect_dma semaphore(%arg23 : memref<!tpu.dma_semaphore, #tpu.memory_space<semaphore_mem>>) src(%dma_wait3A_112 : memref<32768x80xf32, #tpu.memory_space<hbm>>) dst(%dma_wait3A_106 : memref<128x80xf32, #tpu.memory_space<vmem>>)
      %dma_wait3A_113 = arith.constant 3 : i32
      %dma_wait3A_114 = arith.constant 384 : i32
      %dma_wait3A_115 = arith.constant 0 : i32
      %dma_wait3A_116 = tpu.memref_slice %arg22[%dma_wait3A_114, %dma_wait3A_115] : memref<512x80xf32, #tpu.memory_space<vmem>> -> memref<128x80xf32, #tpu.memory_space<vmem>>
      %dma_wait3A_117 = arith.constant 0 : i32
      %dma_wait3A_118 = tpu.memref_slice %arg21[%dma_wait3A_113, %dma_wait3A_117] : memref<4x128xi32, #tpu.memory_space<vmem>> -> memref<1x128xi32, #tpu.memory_space<vmem>>
      %dma_wait3A_119 = tpu.memref_squeeze %dma_wait3A_118 : memref<1x128xi32, #tpu.memory_space<vmem>> -> memref<128xi32, #tpu.memory_space<vmem>>
      %dma_wait3A_120 = arith.constant 0 : i32
      %dma_wait3A_121 = arith.constant 0 : i32
      %dma_wait3A_122 = tpu.memref_slice %arg10[%dma_wait3A_120, %dma_wait3A_121] : memref<32768x80xf32, #tpu.memory_space<hbm>> -> memref<32768x80xf32, #tpu.memory_space<hbm>>
      tpu.wait_indirect_dma semaphore(%arg23 : memref<!tpu.dma_semaphore, #tpu.memory_space<semaphore_mem>>) src(%dma_wait3A_122 : memref<32768x80xf32, #tpu.memory_space<hbm>>) dst(%dma_wait3A_116 : memref<128x80xf32, #tpu.memory_space<vmem>>)
      %mul3A_123 = arith.constant 4096 : i32
      %mul3A_124 = arith.muli %add3A, %mul3A_123 : i32
      %mul3A_125 = arith.constant 512 : i32
      %mul3A_126 = arith.muli %scan3A_36, %mul3A_125 : i32
      %add3A_127 = arith.addi %mul3A_124, %mul3A_126 : i32
      "tpu.region"() ({
        %run_scoped3A = tpu.sem_alloc : memref<!tpu.dma_semaphore, #tpu.memory_space<semaphore_mem>>
        %dma_start3A_129 = arith.constant 0 : i32
        %dma_start3A_130 = tpu.memref_slice %arg11[%add3A_127, %dma_start3A_129] : memref<131072x80xf32, #tpu.memory_space<hbm>> -> memref<512x80xf32, #tpu.memory_space<hbm>>
        %dma_start3A_131 = arith.constant 0 : i32
        %dma_start3A_132 = tpu.memref_slice %arg11[%add3A_127, %dma_start3A_131] : memref<131072x80xf32, #tpu.memory_space<hbm>> -> memref<512x80xf32, #tpu.memory_space<hbm>>
        tpu.enqueue_dma source(%arg22 : memref<512x80xf32, #tpu.memory_space<vmem>>) target(%dma_start3A_132 : memref<512x80xf32, #tpu.memory_space<hbm>>) target_semaphore(%run_scoped3A : memref<!tpu.dma_semaphore, #tpu.memory_space<semaphore_mem>>)
        %dma_wait3A_133 = arith.constant 0 : i32
        %dma_wait3A_134 = tpu.memref_slice %arg11[%add3A_127, %dma_wait3A_133] : memref<131072x80xf32, #tpu.memory_space<hbm>> -> memref<512x80xf32, #tpu.memory_space<hbm>>
        %dma_wait3A_135 = arith.constant 0 : i32
        %dma_wait3A_136 = tpu.memref_slice %arg11[%add3A_127, %dma_wait3A_135] : memref<131072x80xf32, #tpu.memory_space<hbm>> -> memref<512x80xf32, #tpu.memory_space<hbm>>
        tpu.wait_dma2 semaphore(%run_scoped3A : memref<!tpu.dma_semaphore, #tpu.memory_space<semaphore_mem>>) src(%arg22 : memref<512x80xf32, #tpu.memory_space<vmem>>) dst(%dma_wait3A_136 : memref<512x80xf32, #tpu.memory_space<hbm>>)
        tpu.yield
      }) : () -> ()
      %scan3A_128 = arith.constant 0 : i32
      scf.yield %scan3A_128 : i32
    }
    %scan3A_35 = arith.constant 8 : i32
    return
  }
}

module attributes {stable_mosaic.version = 14 : i64} {
  func.func @_fps_kernel(%arg0: memref<8x4096xf32, #tpu.memory_space<vmem>>, %arg1: memref<8x4096xf32, #tpu.memory_space<vmem>>, %arg2: memref<8x4096xf32, #tpu.memory_space<vmem>>, %arg3: memref<8x512xf32, #tpu.memory_space<vmem>>, %arg4: memref<8x512xf32, #tpu.memory_space<vmem>>, %arg5: memref<8x512xf32, #tpu.memory_space<vmem>>, %arg6: memref<8x4096xf32, #tpu.memory_space<vmem>>, %arg7: memref<8x4096xf32, #tpu.memory_space<vmem>>, %arg8: memref<8x4096xf32, #tpu.memory_space<vmem>>, %arg9: memref<8x4096xf32, #tpu.memory_space<vmem>>) attributes {dimension_semantics = [], scalar_prefetch = 0 : i64, scratch_operands = 0 : i64, tpu.core_type = #tpu.core_type<tc>} {
    %get3A = arith.constant 0 : index
    %get3A_0 = arith.constant 0 : index
    %get3A_1 = vector.load %arg0[%get3A, %get3A_0] : memref<8x4096xf32, #tpu.memory_space<vmem>>, vector<8x4096xf32>
    %get3A_2 = arith.constant 0 : index
    %get3A_3 = arith.constant 0 : index
    %get3A_4 = vector.load %arg1[%get3A_2, %get3A_3] : memref<8x4096xf32, #tpu.memory_space<vmem>>, vector<8x4096xf32>
    %get3A_5 = arith.constant 0 : index
    %get3A_6 = arith.constant 0 : index
    %get3A_7 = vector.load %arg2[%get3A_5, %get3A_6] : memref<8x4096xf32, #tpu.memory_space<vmem>>, vector<8x4096xf32>
    %mul3A = arith.mulf %get3A_1, %get3A_1 : vector<8x4096xf32>
    %mul3A_8 = arith.mulf %get3A_4, %get3A_4 : vector<8x4096xf32>
    %add3A = arith.addf %mul3A, %mul3A_8 : vector<8x4096xf32>
    %mul3A_9 = arith.mulf %get3A_7, %get3A_7 : vector<8x4096xf32>
    %add3A_10 = arith.addf %add3A, %mul3A_9 : vector<8x4096xf32>
    %swap3A = arith.constant 0 : index
    %swap3A_11 = arith.constant 0 : index
    %swap3A_12 = vector.load %arg6[%swap3A, %swap3A_11] : memref<8x4096xf32, #tpu.memory_space<vmem>>, vector<8x4096xf32>
    tpu.vector_store %arg6[%swap3A, %swap3A_11], %add3A_10 {strides = array<i32>} : memref<8x4096xf32, #tpu.memory_space<vmem>>, vector<8x4096xf32>,
    %convert_element_type3A = arith.truncf %get3A_1 : vector<8x4096xf32> to vector<8x4096xbf16>
    %convert_element_type3A_13 = arith.extf %convert_element_type3A : vector<8x4096xbf16> to vector<8x4096xf32>
    %swap3A_14 = arith.constant 0 : index
    %swap3A_15 = arith.constant 0 : index
    %swap3A_16 = vector.load %arg7[%swap3A_14, %swap3A_15] : memref<8x4096xf32, #tpu.memory_space<vmem>>, vector<8x4096xf32>
    tpu.vector_store %arg7[%swap3A_14, %swap3A_15], %convert_element_type3A_13 {strides = array<i32>} : memref<8x4096xf32, #tpu.memory_space<vmem>>, vector<8x4096xf32>,
    %convert_element_type3A_17 = arith.truncf %get3A_4 : vector<8x4096xf32> to vector<8x4096xbf16>
    %convert_element_type3A_18 = arith.extf %convert_element_type3A_17 : vector<8x4096xbf16> to vector<8x4096xf32>
    %swap3A_19 = arith.constant 0 : index
    %swap3A_20 = arith.constant 0 : index
    %swap3A_21 = vector.load %arg8[%swap3A_19, %swap3A_20] : memref<8x4096xf32, #tpu.memory_space<vmem>>, vector<8x4096xf32>
    tpu.vector_store %arg8[%swap3A_19, %swap3A_20], %convert_element_type3A_18 {strides = array<i32>} : memref<8x4096xf32, #tpu.memory_space<vmem>>, vector<8x4096xf32>,
    %convert_element_type3A_22 = arith.truncf %get3A_7 : vector<8x4096xf32> to vector<8x4096xbf16>
    %convert_element_type3A_23 = arith.extf %convert_element_type3A_22 : vector<8x4096xbf16> to vector<8x4096xf32>
    %swap3A_24 = arith.constant 0 : index
    %swap3A_25 = arith.constant 0 : index
    %swap3A_26 = vector.load %arg9[%swap3A_24, %swap3A_25] : memref<8x4096xf32, #tpu.memory_space<vmem>>, vector<8x4096xf32>
    tpu.vector_store %arg9[%swap3A_24, %swap3A_25], %convert_element_type3A_23 {strides = array<i32>} : memref<8x4096xf32, #tpu.memory_space<vmem>>, vector<8x4096xf32>,
    %iota3A = tpu.iota {dimensions = array<i32: 1>} : vector<8x4096xi32>
    %iota3A_27 = tpu.iota {dimensions = array<i32: 1>} : vector<8x512xi32>
    %broadcast_in_dim3A = arith.constant 1.000000e+10 : f32
    %broadcast_in_dim3A_28 = vector.broadcast %broadcast_in_dim3A : f32 to vector<8x4096xf32>
    %broadcast_in_dim3A_29 = arith.constant 0 : i32
    %broadcast_in_dim3A_30 = vector.broadcast %broadcast_in_dim3A_29 : i32 to vector<8x1xi32>
    %broadcast_in_dim3A_31 = arith.constant 0.000000e+00 : f32
    %broadcast_in_dim3A_32 = vector.broadcast %broadcast_in_dim3A_31 : f32 to vector<8x512xf32>
    %scan3A = arith.constant 0 : i32
    %scan3A_33 = arith.constant 512 : i32
    %scan3A_34 = arith.addi %scan3A, %scan3A_33 : i32
    %scan3A_35 = arith.constant 1 : i32
    %scan3A_36:5 = scf.for %scan3A_47 = %scan3A to %scan3A_34 step %scan3A_35 iter_args(%scan3A_48 = %broadcast_in_dim3A_28, %scan3A_49 = %broadcast_in_dim3A_30, %scan3A_50 = %broadcast_in_dim3A_32, %scan3A_51 = %broadcast_in_dim3A_32, %scan3A_52 = %broadcast_in_dim3A_32) -> (vector<8x4096xf32>, vector<8x1xi32>, vector<8x512xf32>, vector<8x512xf32>, vector<8x512xf32>)  : i32 {
      %eq3A = vector.broadcast %scan3A_49 : vector<8x1xi32> to vector<8x4096xi32>
      %eq3A_53 = arith.cmpi eq, %iota3A, %eq3A : vector<8x4096xi32>
      %jit3A = arith.constant -1.000000e+00 : f32
      %broadcast_in_dim3A_54 = vector.broadcast %jit3A : f32 to vector<8x4096xf32>
      %select_n3A = arith.select %eq3A_53, %get3A_1, %broadcast_in_dim3A_54 : vector<8x4096xi1>, vector<8x4096xf32>
      %reduce_max3A = arith.constant dense<0xFF800000> : vector<8xf32>
      %reduce_max3A_55 = vector.multi_reduction <maximumf>, %select_n3A, %reduce_max3A [1] : vector<8x4096xf32> to vector<8xf32>
      %broadcast_in_dim3A_56 = vector.shape_cast %reduce_max3A_55 : vector<8xf32> to vector<8x1xf32>
      %jit3A_57 = arith.constant -1.000000e+00 : f32
      %broadcast_in_dim3A_58 = vector.broadcast %jit3A_57 : f32 to vector<8x4096xf32>
      %select_n3A_59 = arith.select %eq3A_53, %get3A_4, %broadcast_in_dim3A_58 : vector<8x4096xi1>, vector<8x4096xf32>
      %reduce_max3A_60 = arith.constant dense<0xFF800000> : vector<8xf32>
      %reduce_max3A_61 = vector.multi_reduction <maximumf>, %select_n3A_59, %reduce_max3A_60 [1] : vector<8x4096xf32> to vector<8xf32>
      %broadcast_in_dim3A_62 = vector.shape_cast %reduce_max3A_61 : vector<8xf32> to vector<8x1xf32>
      %jit3A_63 = arith.constant -1.000000e+00 : f32
      %broadcast_in_dim3A_64 = vector.broadcast %jit3A_63 : f32 to vector<8x4096xf32>
      %select_n3A_65 = arith.select %eq3A_53, %get3A_7, %broadcast_in_dim3A_64 : vector<8x4096xi1>, vector<8x4096xf32>
      %reduce_max3A_66 = arith.constant dense<0xFF800000> : vector<8xf32>
      %reduce_max3A_67 = vector.multi_reduction <maximumf>, %select_n3A_65, %reduce_max3A_66 [1] : vector<8x4096xf32> to vector<8xf32>
      %broadcast_in_dim3A_68 = vector.shape_cast %reduce_max3A_67 : vector<8xf32> to vector<8x1xf32>
      %eq3A_69 = vector.broadcast %scan3A_47 : i32 to vector<8x512xi32>
      %eq3A_70 = arith.cmpi eq, %iota3A_27, %eq3A_69 : vector<8x512xi32>
      %broadcast_in_dim3A_71 = vector.shape_cast %broadcast_in_dim3A_56 : vector<8x1xf32> to vector<8x1xf32>
      %broadcast_in_dim3A_72 = vector.broadcast %broadcast_in_dim3A_71 : vector<8x1xf32> to vector<8x512xf32>
      %select_n3A_73 = arith.select %eq3A_70, %broadcast_in_dim3A_72, %scan3A_50 : vector<8x512xi1>, vector<8x512xf32>
      %broadcast_in_dim3A_74 = vector.shape_cast %broadcast_in_dim3A_62 : vector<8x1xf32> to vector<8x1xf32>
      %broadcast_in_dim3A_75 = vector.broadcast %broadcast_in_dim3A_74 : vector<8x1xf32> to vector<8x512xf32>
      %select_n3A_76 = arith.select %eq3A_70, %broadcast_in_dim3A_75, %scan3A_51 : vector<8x512xi1>, vector<8x512xf32>
      %broadcast_in_dim3A_77 = vector.shape_cast %broadcast_in_dim3A_68 : vector<8x1xf32> to vector<8x1xf32>
      %broadcast_in_dim3A_78 = vector.broadcast %broadcast_in_dim3A_77 : vector<8x1xf32> to vector<8x512xf32>
      %select_n3A_79 = arith.select %eq3A_70, %broadcast_in_dim3A_78, %scan3A_52 : vector<8x512xi1>, vector<8x512xf32>
      %sub3A = vector.broadcast %broadcast_in_dim3A_56 : vector<8x1xf32> to vector<8x4096xf32>
      %sub3A_80 = arith.subf %get3A_1, %sub3A : vector<8x4096xf32>
      %sub3A_81 = vector.broadcast %broadcast_in_dim3A_62 : vector<8x1xf32> to vector<8x4096xf32>
      %sub3A_82 = arith.subf %get3A_4, %sub3A_81 : vector<8x4096xf32>
      %sub3A_83 = vector.broadcast %broadcast_in_dim3A_68 : vector<8x1xf32> to vector<8x4096xf32>
      %sub3A_84 = arith.subf %get3A_7, %sub3A_83 : vector<8x4096xf32>
      %mul3A_85 = arith.mulf %sub3A_80, %sub3A_80 : vector<8x4096xf32>
      %mul3A_86 = arith.mulf %sub3A_82, %sub3A_82 : vector<8x4096xf32>
      %add3A_87 = arith.addf %mul3A_85, %mul3A_86 : vector<8x4096xf32>
      %mul3A_88 = arith.mulf %sub3A_84, %sub3A_84 : vector<8x4096xf32>
      %add3A_89 = arith.addf %add3A_87, %mul3A_88 : vector<8x4096xf32>
      %min3A = arith.minimumf %scan3A_48, %add3A_89 : vector<8x4096xf32>
      %reduce_max3A_90 = arith.constant dense<0xFF800000> : vector<8xf32>
      %reduce_max3A_91 = vector.multi_reduction <maximumf>, %min3A, %reduce_max3A_90 [1] : vector<8x4096xf32> to vector<8xf32>
      %broadcast_in_dim3A_92 = vector.shape_cast %reduce_max3A_91 : vector<8xf32> to vector<8x1xf32>
      %eq3A_93 = vector.broadcast %broadcast_in_dim3A_92 : vector<8x1xf32> to vector<8x4096xf32>
      %eq3A_94 = arith.cmpf oeq, %min3A, %eq3A_93 : vector<8x4096xf32>
      %jit3A_95 = arith.constant 4096 : i32
      %broadcast_in_dim3A_96 = vector.broadcast %jit3A_95 : i32 to vector<8x4096xi32>
      %select_n3A_97 = arith.select %eq3A_94, %iota3A, %broadcast_in_dim3A_96 : vector<8x4096xi1>, vector<8x4096xi32>
      %reduce_min3A = arith.constant dense<2147483647> : vector<8xi32>
      %reduce_min3A_98 = vector.multi_reduction <minsi>, %select_n3A_97, %reduce_min3A [1] : vector<8x4096xi32> to vector<8xi32>
      %broadcast_in_dim3A_99 = vector.shape_cast %reduce_min3A_98 : vector<8xi32> to vector<8x1xi32>
      scf.yield %min3A, %broadcast_in_dim3A_99, %select_n3A_73, %select_n3A_76, %select_n3A_79 : vector<8x4096xf32>, vector<8x1xi32>, vector<8x512xf32>, vector<8x512xf32>, vector<8x512xf32>
    }
    %scan3A_37 = arith.constant 512 : i32
    %swap3A_38 = arith.constant 0 : index
    %swap3A_39 = arith.constant 0 : index
    %swap3A_40 = vector.load %arg3[%swap3A_38, %swap3A_39] : memref<8x512xf32, #tpu.memory_space<vmem>>, vector<8x512xf32>
    tpu.vector_store %arg3[%swap3A_38, %swap3A_39], %scan3A_36#2 {strides = array<i32>} : memref<8x512xf32, #tpu.memory_space<vmem>>, vector<8x512xf32>,
    %swap3A_41 = arith.constant 0 : index
    %swap3A_42 = arith.constant 0 : index
    %swap3A_43 = vector.load %arg4[%swap3A_41, %swap3A_42] : memref<8x512xf32, #tpu.memory_space<vmem>>, vector<8x512xf32>
    tpu.vector_store %arg4[%swap3A_41, %swap3A_42], %scan3A_36#3 {strides = array<i32>} : memref<8x512xf32, #tpu.memory_space<vmem>>, vector<8x512xf32>,
    %swap3A_44 = arith.constant 0 : index
    %swap3A_45 = arith.constant 0 : index
    %swap3A_46 = vector.load %arg5[%swap3A_44, %swap3A_45] : memref<8x512xf32, #tpu.memory_space<vmem>>, vector<8x512xf32>
    tpu.vector_store %arg5[%swap3A_44, %swap3A_45], %scan3A_36#4 {strides = array<i32>} : memref<8x512xf32, #tpu.memory_space<vmem>>, vector<8x512xf32>,
    return
  }
}

module attributes {stable_mosaic.version = 14 : i64} {
  func.func @_corr_kernel(%arg0: memref<4096x1xf32, #tpu.memory_space<vmem>>, %arg1: memref<4096x1xf32, #tpu.memory_space<vmem>>, %arg2: memref<4096x1xf32, #tpu.memory_space<vmem>>, %arg3: memref<4096x1xf32, #tpu.memory_space<vmem>>, %arg4: memref<4096x1xf32, #tpu.memory_space<vmem>>, %arg5: memref<4096x1xf32, #tpu.memory_space<vmem>>, %arg6: memref<4096x1xf32, #tpu.memory_space<vmem>>) attributes {dimension_semantics = [], scalar_prefetch = 0 : i64, scratch_operands = 0 : i64, tpu.core_type = #tpu.core_type<tc>} {
    %get3A = arith.constant 0 : index
    %get3A_0 = arith.constant 0 : index
    %get3A_1 = vector.load %arg0[%get3A, %get3A_0] : memref<4096x1xf32, #tpu.memory_space<vmem>>, vector<4096x1xf32>
    %get3A_2 = arith.constant 0 : index
    %get3A_3 = arith.constant 0 : index
    %get3A_4 = vector.load %arg1[%get3A_2, %get3A_3] : memref<4096x1xf32, #tpu.memory_space<vmem>>, vector<4096x1xf32>
    %get3A_5 = arith.constant 0 : index
    %get3A_6 = arith.constant 0 : index
    %get3A_7 = vector.load %arg2[%get3A_5, %get3A_6] : memref<4096x1xf32, #tpu.memory_space<vmem>>, vector<4096x1xf32>
    %mul3A = arith.mulf %get3A_1, %get3A_1 : vector<4096x1xf32>
    %mul3A_8 = arith.mulf %get3A_4, %get3A_4 : vector<4096x1xf32>
    %add3A = arith.addf %mul3A, %mul3A_8 : vector<4096x1xf32>
    %mul3A_9 = arith.mulf %get3A_7, %get3A_7 : vector<4096x1xf32>
    %add3A_10 = arith.addf %add3A, %mul3A_9 : vector<4096x1xf32>
    %swap3A = arith.constant 0 : index
    %swap3A_11 = arith.constant 0 : index
    %swap3A_12 = vector.load %arg3[%swap3A, %swap3A_11] : memref<4096x1xf32, #tpu.memory_space<vmem>>, vector<4096x1xf32>
    tpu.vector_store %arg3[%swap3A, %swap3A_11], %add3A_10 {strides = array<i32>} : memref<4096x1xf32, #tpu.memory_space<vmem>>, vector<4096x1xf32>,
    %convert_element_type3A = arith.truncf %get3A_1 : vector<4096x1xf32> to vector<4096x1xbf16>
    %convert_element_type3A_13 = arith.extf %convert_element_type3A : vector<4096x1xbf16> to vector<4096x1xf32>
    %swap3A_14 = arith.constant 0 : index
    %swap3A_15 = arith.constant 0 : index
    %swap3A_16 = vector.load %arg4[%swap3A_14, %swap3A_15] : memref<4096x1xf32, #tpu.memory_space<vmem>>, vector<4096x1xf32>
    tpu.vector_store %arg4[%swap3A_14, %swap3A_15], %convert_element_type3A_13 {strides = array<i32>} : memref<4096x1xf32, #tpu.memory_space<vmem>>, vector<4096x1xf32>,
    %convert_element_type3A_17 = arith.truncf %get3A_4 : vector<4096x1xf32> to vector<4096x1xbf16>
    %convert_element_type3A_18 = arith.extf %convert_element_type3A_17 : vector<4096x1xbf16> to vector<4096x1xf32>
    %swap3A_19 = arith.constant 0 : index
    %swap3A_20 = arith.constant 0 : index
    %swap3A_21 = vector.load %arg5[%swap3A_19, %swap3A_20] : memref<4096x1xf32, #tpu.memory_space<vmem>>, vector<4096x1xf32>
    tpu.vector_store %arg5[%swap3A_19, %swap3A_20], %convert_element_type3A_18 {strides = array<i32>} : memref<4096x1xf32, #tpu.memory_space<vmem>>, vector<4096x1xf32>,
    %convert_element_type3A_22 = arith.truncf %get3A_7 : vector<4096x1xf32> to vector<4096x1xbf16>
    %convert_element_type3A_23 = arith.extf %convert_element_type3A_22 : vector<4096x1xbf16> to vector<4096x1xf32>
    %swap3A_24 = arith.constant 0 : index
    %swap3A_25 = arith.constant 0 : index
    %swap3A_26 = vector.load %arg6[%swap3A_24, %swap3A_25] : memref<4096x1xf32, #tpu.memory_space<vmem>>, vector<4096x1xf32>
    tpu.vector_store %arg6[%swap3A_24, %swap3A_25], %convert_element_type3A_23 {strides = array<i32>} : memref<4096x1xf32, #tpu.memory_space<vmem>>, vector<4096x1xf32>,
    return
  }
}

module attributes {stable_mosaic.version = 14 : i64} {
  func.func @_c1_kernel(%arg0: i32, %arg1: memref<256x32x80xf32, #tpu.memory_space<vmem>>, %arg2: memref<256x1x80xf32, #tpu.memory_space<vmem>>, %arg3: memref<80x64xf32, #tpu.memory_space<vmem>>, %arg4: memref<1x64xf32, #tpu.memory_space<vmem>>, %arg5: memref<256x32x64xf32, #tpu.memory_space<vmem>>, %arg6: memref<8x64xf32, #tpu.memory_space<vmem>>) attributes {dimension_semantics = [#tpu.dimension_semantics<arbitrary>], iteration_bounds = array<i64: 16>, scalar_prefetch = 0 : i64, scratch_operands = 0 : i64, tpu.core_type = #tpu.core_type<tc>, window_params = [{transform_indices = @transform_0, window_bounds = array<i64: 256, 32, 80>}, {transform_indices = @transform_1, window_bounds = array<i64: 256, 1, 80>}, {pipeline_mode = #tpu.pipeline_mode<synchronous>, transform_indices = @transform_2, window_bounds = array<i64: 80, 64>}, {pipeline_mode = #tpu.pipeline_mode<synchronous>, transform_indices = @transform_3, window_bounds = array<i64: 1, 64>}, {transform_indices = @transform_4, window_bounds = array<i64: 256, 32, 64>}, {pipeline_mode = #tpu.pipeline_mode<synchronous>, transform_indices = @transform_5, window_bounds = array<i64: 8, 64>}]} {
    %get3A = arith.constant 0 : index
    %get3A_0 = arith.constant 0 : index
    %get3A_1 = arith.constant 0 : index
    %get3A_2 = vector.load %arg1[%get3A, %get3A_0, %get3A_1] : memref<256x32x80xf32, #tpu.memory_space<vmem>>, vector<256x32x80xf32>
    %get3A_3 = arith.constant 0 : index
    %get3A_4 = arith.constant 0 : index
    %get3A_5 = arith.constant 0 : index
    %get3A_6 = vector.load %arg2[%get3A_3, %get3A_4, %get3A_5] : memref<256x1x80xf32, #tpu.memory_space<vmem>>, vector<256x1x80xf32>
    %sub3A = vector.broadcast %get3A_6 : vector<256x1x80xf32> to vector<256x32x80xf32>
    %sub3A_7 = arith.subf %get3A_2, %sub3A : vector<256x32x80xf32>
    %reshape3A = vector.shape_cast %sub3A_7 : vector<256x32x80xf32> to vector<8192x80xf32>
    %convert_element_type3A = arith.truncf %reshape3A : vector<8192x80xf32> to vector<8192x80xbf16>
    %get3A_8 = arith.constant 0 : index
    %get3A_9 = arith.constant 0 : index
    %get3A_10 = vector.load %arg3[%get3A_8, %get3A_9] : memref<80x64xf32, #tpu.memory_space<vmem>>, vector<80x64xf32>
    %convert_element_type3A_11 = arith.truncf %get3A_10 : vector<80x64xf32> to vector<80x64xbf16>
    %dot_general3A = arith.constant dense<0.000000e+00> : vector<8192x64xf32>
    %dot_general3A_12 = tpu.matmul %convert_element_type3A, %convert_element_type3A_11, %dot_general3A {dimension_numbers = #tpu.dot_dimension_numbers<[1], [0], [0], [1], [0, 0, 1, 1], [], []>, transpose_lhs_hint = false} : vector<8192x80xbf16>, vector<80x64xbf16>, vector<8192x64xf32> -> vector<8192x64xf32>
    %get3A_13 = arith.constant 0 : index
    %get3A_14 = arith.constant 0 : index
    %get3A_15 = vector.load %arg4[%get3A_13, %get3A_14] : memref<1x64xf32, #tpu.memory_space<vmem>>, vector<1x64xf32>
    %add3A = vector.broadcast %get3A_15 : vector<1x64xf32> to vector<8192x64xf32>
    %add3A_16 = arith.addf %dot_general3A_12, %add3A : vector<8192x64xf32>
    %max3A = arith.constant 0.000000e+00 : f32
    %max3A_17 = vector.broadcast %max3A : f32 to vector<8192x64xf32>
    %max3A_18 = arith.maximumf %add3A_16, %max3A_17 : vector<8192x64xf32>
    %reshape3A_19 = vector.shape_cast %max3A_18 : vector<8192x64xf32> to vector<256x32x64xf32>
    %swap3A = arith.constant 0 : index
    %swap3A_20 = arith.constant 0 : index
    %swap3A_21 = arith.constant 0 : index
    %swap3A_22 = vector.load %arg5[%swap3A, %swap3A_20, %swap3A_21] : memref<256x32x64xf32, #tpu.memory_space<vmem>>, vector<256x32x64xf32>
    tpu.vector_store %arg5[%swap3A, %swap3A_20, %swap3A_21], %reshape3A_19 {strides = array<i32>} : memref<256x32x64xf32, #tpu.memory_space<vmem>>, vector<256x32x64xf32>,
    %reduce_sum3A = arith.constant dense<0.000000e+00> : vector<64xf32>
    %reduce_sum3A_23 = vector.multi_reduction <add>, %max3A_18, %reduce_sum3A [0] : vector<8192x64xf32> to vector<64xf32>
    %broadcast_in_dim3A = vector.shape_cast %reduce_sum3A_23 : vector<64xf32> to vector<1x64xf32>
    %mul3A = arith.mulf %max3A_18, %max3A_18 : vector<8192x64xf32>
    %reduce_sum3A_24 = arith.constant dense<0.000000e+00> : vector<64xf32>
    %reduce_sum3A_25 = vector.multi_reduction <add>, %mul3A, %reduce_sum3A_24 [0] : vector<8192x64xf32> to vector<64xf32>
    %broadcast_in_dim3A_26 = vector.shape_cast %reduce_sum3A_25 : vector<64xf32> to vector<1x64xf32>
    %broadcast_in_dim3A_27 = arith.constant 0.000000e+00 : f32
    %broadcast_in_dim3A_28 = vector.broadcast %broadcast_in_dim3A_27 : f32 to vector<6x64xf32>
    %concatenate3A = tpu.concatenate %broadcast_in_dim3A, %broadcast_in_dim3A_26, %broadcast_in_dim3A_28 in 0 : vector<1x64xf32>, vector<1x64xf32>, vector<6x64xf32> -> vector<8x64xf32>
    %eq3A = arith.constant 0 : i32
    %eq3A_29 = arith.cmpi eq, %arg0, %eq3A : i32
    %convert_element_type3A_30 = arith.extui %eq3A_29 : i1 to i32
    %cond3A = arith.constant 0 : i32
    %cond3A_31 = arith.cmpi ne, %convert_element_type3A_30, %cond3A : i32
    scf.if %cond3A_31 {
      %swap3A_36 = arith.constant 0 : index
      %swap3A_37 = arith.constant 0 : index
      %swap3A_38 = vector.load %arg6[%swap3A_36, %swap3A_37] : memref<8x64xf32, #tpu.memory_space<vmem>>, vector<8x64xf32>
      tpu.vector_store %arg6[%swap3A_36, %swap3A_37], %concatenate3A {strides = array<i32>} : memref<8x64xf32, #tpu.memory_space<vmem>>, vector<8x64xf32>,
    } else {
    }
    %gt3A = arith.constant 0 : i32
    %gt3A_32 = arith.cmpi sgt, %arg0, %gt3A : i32
    %convert_element_type3A_33 = arith.extui %gt3A_32 : i1 to i32
    %cond3A_34 = arith.constant 0 : i32
    %cond3A_35 = arith.cmpi ne, %convert_element_type3A_33, %cond3A_34 : i32
    scf.if %cond3A_35 {
      %get3A_36 = arith.constant 0 : index
      %get3A_37 = arith.constant 0 : index
      %get3A_38 = vector.load %arg6[%get3A_36, %get3A_37] : memref<8x64xf32, #tpu.memory_space<vmem>>, vector<8x64xf32>
      %add3A_39 = arith.addf %get3A_38, %concatenate3A : vector<8x64xf32>
      %swap3A_40 = arith.constant 0 : index
      %swap3A_41 = arith.constant 0 : index
      %swap3A_42 = vector.load %arg6[%swap3A_40, %swap3A_41] : memref<8x64xf32, #tpu.memory_space<vmem>>, vector<8x64xf32>
      tpu.vector_store %arg6[%swap3A_40, %swap3A_41], %add3A_39 {strides = array<i32>} : memref<8x64xf32, #tpu.memory_space<vmem>>, vector<8x64xf32>,
    } else {
    }
    return
  }
  func.func @transform_0(%arg0: i32) -> (i32, i32, i32) {
    %c0_i32 = arith.constant 0 : i32
    %c0_i32_0 = arith.constant 0 : i32
    %c0_i32_1 = arith.constant 0 : i32
    return %arg0, %c0_i32, %c0_i32_0 : i32, i32, i32
  }
  func.func @transform_1(%arg0: i32) -> (i32, i32, i32) {
    %c0_i32 = arith.constant 0 : i32
    %c0_i32_0 = arith.constant 0 : i32
    %c0_i32_1 = arith.constant 0 : i32
    return %arg0, %c0_i32, %c0_i32_0 : i32, i32, i32
  }
  func.func @transform_2(%arg0: i32) -> (i32, i32) {
    %c0_i32 = arith.constant 0 : i32
    %c0_i32_0 = arith.constant 0 : i32
    %c0_i32_1 = arith.constant 0 : i32
    return %c0_i32, %c0_i32_0 : i32, i32
  }
  func.func @transform_3(%arg0: i32) -> (i32, i32) {
    %c0_i32 = arith.constant 0 : i32
    %c0_i32_0 = arith.constant 0 : i32
    %c0_i32_1 = arith.constant 0 : i32
    return %c0_i32, %c0_i32_0 : i32, i32
  }
  func.func @transform_4(%arg0: i32) -> (i32, i32, i32) {
    %c0_i32 = arith.constant 0 : i32
    %c0_i32_0 = arith.constant 0 : i32
    %c0_i32_1 = arith.constant 0 : i32
    return %arg0, %c0_i32, %c0_i32_0 : i32, i32, i32
  }
  func.func @transform_5(%arg0: i32) -> (i32, i32) {
    %c0_i32 = arith.constant 0 : i32
    %c0_i32_0 = arith.constant 0 : i32
    %c0_i32_1 = arith.constant 0 : i32
    return %c0_i32, %c0_i32_0 : i32, i32
  }
}

module attributes {stable_mosaic.version = 14 : i64} {
  func.func @_c2_kernel(%arg0: i32, %arg1: memref<256x32x64xf32, #tpu.memory_space<vmem>>, %arg2: memref<8x64xf32, #tpu.memory_space<vmem>>, %arg3: memref<64x64xf32, #tpu.memory_space<vmem>>, %arg4: memref<8x64xf32, #tpu.memory_space<vmem>>, %arg5: memref<1x64xf32, #tpu.memory_space<vmem>>, %arg6: memref<256x32x64xf32, #tpu.memory_space<vmem>>, %arg7: memref<8x64xf32, #tpu.memory_space<vmem>>) attributes {dimension_semantics = [#tpu.dimension_semantics<arbitrary>], iteration_bounds = array<i64: 16>, scalar_prefetch = 0 : i64, scratch_operands = 0 : i64, tpu.core_type = #tpu.core_type<tc>, window_params = [{transform_indices = @transform_0, window_bounds = array<i64: 256, 32, 64>}, {pipeline_mode = #tpu.pipeline_mode<synchronous>, transform_indices = @transform_1, window_bounds = array<i64: 8, 64>}, {pipeline_mode = #tpu.pipeline_mode<synchronous>, transform_indices = @transform_2, window_bounds = array<i64: 64, 64>}, {pipeline_mode = #tpu.pipeline_mode<synchronous>, transform_indices = @transform_3, window_bounds = array<i64: 8, 64>}, {pipeline_mode = #tpu.pipeline_mode<synchronous>, transform_indices = @transform_4, window_bounds = array<i64: 1, 64>}, {transform_indices = @transform_5, window_bounds = array<i64: 256, 32, 64>}, {pipeline_mode = #tpu.pipeline_mode<synchronous>, transform_indices = @transform_6, window_bounds = array<i64: 8, 64>}]} {
    %get3A = arith.constant 0 : index
    %get3A_0 = arith.constant 0 : index
    %get3A_1 = vector.load %arg2[%get3A, %get3A_0] : memref<8x64xf32, #tpu.memory_space<vmem>>, vector<8x64xf32>
    %slice3A = vector.extract_strided_slice %get3A_1 {offsets = [0, 0], sizes = [1, 64], strides = [1, 1]} : vector<8x64xf32> to vector<1x64xf32>
    %div3A = arith.constant 1.310720e+05 : f32
    %div3A_2 = vector.broadcast %div3A : f32 to vector<1x64xf32>
    %div3A_3 = arith.divf %slice3A, %div3A_2 : vector<1x64xf32>
    %slice3A_4 = vector.extract_strided_slice %get3A_1 {offsets = [1, 0], sizes = [1, 64], strides = [1, 1]} : vector<8x64xf32> to vector<1x64xf32>
    %div3A_5 = arith.constant 1.310720e+05 : f32
    %div3A_6 = vector.broadcast %div3A_5 : f32 to vector<1x64xf32>
    %div3A_7 = arith.divf %slice3A_4, %div3A_6 : vector<1x64xf32>
    %mul3A = arith.mulf %div3A_3, %div3A_3 : vector<1x64xf32>
    %sub3A = arith.subf %div3A_7, %mul3A : vector<1x64xf32>
    %get3A_8 = arith.constant 0 : index
    %get3A_9 = arith.constant 0 : index
    %get3A_10 = arith.constant 0 : index
    %get3A_11 = vector.load %arg1[%get3A_8, %get3A_9, %get3A_10] : memref<256x32x64xf32, #tpu.memory_space<vmem>>, vector<256x32x64xf32>
    %reshape3A = vector.shape_cast %get3A_11 : vector<256x32x64xf32> to vector<8192x64xf32>
    %get3A_12 = arith.constant 0 : index
    %get3A_13 = arith.constant 0 : index
    %get3A_14 = vector.load %arg4[%get3A_12, %get3A_13] : memref<8x64xf32, #tpu.memory_space<vmem>>, vector<1x64xf32>
    %sub3A_15 = vector.broadcast %div3A_3 : vector<1x64xf32> to vector<8192x64xf32>
    %sub3A_16 = arith.subf %reshape3A, %sub3A_15 : vector<8192x64xf32>
    %mul3A_17 = vector.broadcast %get3A_14 : vector<1x64xf32> to vector<8192x64xf32>
    %mul3A_18 = arith.mulf %mul3A_17, %sub3A_16 : vector<8192x64xf32>
    %add3A = arith.constant 1.000000e-03 : f32
    %add3A_19 = vector.broadcast %add3A : f32 to vector<1x64xf32>
    %add3A_20 = arith.addf %sub3A, %add3A_19 : vector<1x64xf32>
    %sqrt3A = math.sqrt %add3A_20 : vector<1x64xf32>
    %div3A_21 = vector.broadcast %sqrt3A : vector<1x64xf32> to vector<8192x64xf32>
    %div3A_22 = arith.divf %mul3A_18, %div3A_21 : vector<8192x64xf32>
    %get3A_23 = arith.constant 1 : index
    %get3A_24 = arith.constant 0 : index
    %get3A_25 = vector.load %arg4[%get3A_23, %get3A_24] : memref<8x64xf32, #tpu.memory_space<vmem>>, vector<1x64xf32>
    %add3A_26 = vector.broadcast %get3A_25 : vector<1x64xf32> to vector<8192x64xf32>
    %add3A_27 = arith.addf %div3A_22, %add3A_26 : vector<8192x64xf32>
    %convert_element_type3A = arith.truncf %add3A_27 : vector<8192x64xf32> to vector<8192x64xbf16>
    %get3A_28 = arith.constant 0 : index
    %get3A_29 = arith.constant 0 : index
    %get3A_30 = vector.load %arg3[%get3A_28, %get3A_29] : memref<64x64xf32, #tpu.memory_space<vmem>>, vector<64x64xf32>
    %convert_element_type3A_31 = arith.truncf %get3A_30 : vector<64x64xf32> to vector<64x64xbf16>
    %dot_general3A = arith.constant dense<0.000000e+00> : vector<8192x64xf32>
    %dot_general3A_32 = tpu.matmul %convert_element_type3A, %convert_element_type3A_31, %dot_general3A {dimension_numbers = #tpu.dot_dimension_numbers<[1], [0], [0], [1], [0, 0, 1, 1], [], []>, transpose_lhs_hint = false} : vector<8192x64xbf16>, vector<64x64xbf16>, vector<8192x64xf32> -> vector<8192x64xf32>
    %get3A_33 = arith.constant 0 : index
    %get3A_34 = arith.constant 0 : index
    %get3A_35 = vector.load %arg5[%get3A_33, %get3A_34] : memref<1x64xf32, #tpu.memory_space<vmem>>, vector<1x64xf32>
    %add3A_36 = vector.broadcast %get3A_35 : vector<1x64xf32> to vector<8192x64xf32>
    %add3A_37 = arith.addf %dot_general3A_32, %add3A_36 : vector<8192x64xf32>
    %max3A = arith.constant 0.000000e+00 : f32
    %max3A_38 = vector.broadcast %max3A : f32 to vector<8192x64xf32>
    %max3A_39 = arith.maximumf %add3A_37, %max3A_38 : vector<8192x64xf32>
    %reduce_sum3A = arith.constant dense<0.000000e+00> : vector<64xf32>
    %reduce_sum3A_40 = vector.multi_reduction <add>, %max3A_39, %reduce_sum3A [0] : vector<8192x64xf32> to vector<64xf32>
    %broadcast_in_dim3A = vector.shape_cast %reduce_sum3A_40 : vector<64xf32> to vector<1x64xf32>
    %mul3A_41 = arith.mulf %max3A_39, %max3A_39 : vector<8192x64xf32>
    %reduce_sum3A_42 = arith.constant dense<0.000000e+00> : vector<64xf32>
    %reduce_sum3A_43 = vector.multi_reduction <add>, %mul3A_41, %reduce_sum3A_42 [0] : vector<8192x64xf32> to vector<64xf32>
    %broadcast_in_dim3A_44 = vector.shape_cast %reduce_sum3A_43 : vector<64xf32> to vector<1x64xf32>
    %broadcast_in_dim3A_45 = arith.constant 0.000000e+00 : f32
    %broadcast_in_dim3A_46 = vector.broadcast %broadcast_in_dim3A_45 : f32 to vector<6x64xf32>
    %concatenate3A = tpu.concatenate %broadcast_in_dim3A, %broadcast_in_dim3A_44, %broadcast_in_dim3A_46 in 0 : vector<1x64xf32>, vector<1x64xf32>, vector<6x64xf32> -> vector<8x64xf32>
    %eq3A = arith.constant 0 : i32
    %eq3A_47 = arith.cmpi eq, %arg0, %eq3A : i32
    %convert_element_type3A_48 = arith.extui %eq3A_47 : i1 to i32
    %cond3A = arith.constant 0 : i32
    %cond3A_49 = arith.cmpi ne, %convert_element_type3A_48, %cond3A : i32
    scf.if %cond3A_49 {
      %swap3A_58 = arith.constant 0 : index
      %swap3A_59 = arith.constant 0 : index
      %swap3A_60 = vector.load %arg7[%swap3A_58, %swap3A_59] : memref<8x64xf32, #tpu.memory_space<vmem>>, vector<8x64xf32>
      tpu.vector_store %arg7[%swap3A_58, %swap3A_59], %concatenate3A {strides = array<i32>} : memref<8x64xf32, #tpu.memory_space<vmem>>, vector<8x64xf32>,
    } else {
    }
    %gt3A = arith.constant 0 : i32
    %gt3A_50 = arith.cmpi sgt, %arg0, %gt3A : i32
    %convert_element_type3A_51 = arith.extui %gt3A_50 : i1 to i32
    %cond3A_52 = arith.constant 0 : i32
    %cond3A_53 = arith.cmpi ne, %convert_element_type3A_51, %cond3A_52 : i32
    scf.if %cond3A_53 {
      %get3A_58 = arith.constant 0 : index
      %get3A_59 = arith.constant 0 : index
      %get3A_60 = vector.load %arg7[%get3A_58, %get3A_59] : memref<8x64xf32, #tpu.memory_space<vmem>>, vector<8x64xf32>
      %add3A_61 = arith.addf %get3A_60, %concatenate3A : vector<8x64xf32>
      %swap3A_62 = arith.constant 0 : index
      %swap3A_63 = arith.constant 0 : index
      %swap3A_64 = vector.load %arg7[%swap3A_62, %swap3A_63] : memref<8x64xf32, #tpu.memory_space<vmem>>, vector<8x64xf32>
      tpu.vector_store %arg7[%swap3A_62, %swap3A_63], %add3A_61 {strides = array<i32>} : memref<8x64xf32, #tpu.memory_space<vmem>>, vector<8x64xf32>,
    } else {
    }
    %reshape3A_54 = vector.shape_cast %max3A_39 : vector<8192x64xf32> to vector<256x32x64xf32>
    %swap3A = arith.constant 0 : index
    %swap3A_55 = arith.constant 0 : index
    %swap3A_56 = arith.constant 0 : index
    %swap3A_57 = vector.load %arg6[%swap3A, %swap3A_55, %swap3A_56] : memref<256x32x64xf32, #tpu.memory_space<vmem>>, vector<256x32x64xf32>
    tpu.vector_store %arg6[%swap3A, %swap3A_55, %swap3A_56], %reshape3A_54 {strides = array<i32>} : memref<256x32x64xf32, #tpu.memory_space<vmem>>, vector<256x32x64xf32>,
    return
  }
  func.func @transform_0(%arg0: i32) -> (i32, i32, i32) {
    %c0_i32 = arith.constant 0 : i32
    %c0_i32_0 = arith.constant 0 : i32
    %c0_i32_1 = arith.constant 0 : i32
    return %arg0, %c0_i32, %c0_i32_0 : i32, i32, i32
  }
  func.func @transform_1(%arg0: i32) -> (i32, i32) {
    %c0_i32 = arith.constant 0 : i32
    %c0_i32_0 = arith.constant 0 : i32
    %c0_i32_1 = arith.constant 0 : i32
    return %c0_i32, %c0_i32_0 : i32, i32
  }
  func.func @transform_2(%arg0: i32) -> (i32, i32) {
    %c0_i32 = arith.constant 0 : i32
    %c0_i32_0 = arith.constant 0 : i32
    %c0_i32_1 = arith.constant 0 : i32
    return %c0_i32, %c0_i32_0 : i32, i32
  }
  func.func @transform_3(%arg0: i32) -> (i32, i32) {
    %c0_i32 = arith.constant 0 : i32
    %c0_i32_0 = arith.constant 0 : i32
    %c0_i32_1 = arith.constant 0 : i32
    return %c0_i32, %c0_i32_0 : i32, i32
  }
  func.func @transform_4(%arg0: i32) -> (i32, i32) {
    %c0_i32 = arith.constant 0 : i32
    %c0_i32_0 = arith.constant 0 : i32
    %c0_i32_1 = arith.constant 0 : i32
    return %c0_i32, %c0_i32_0 : i32, i32
  }
  func.func @transform_5(%arg0: i32) -> (i32, i32, i32) {
    %c0_i32 = arith.constant 0 : i32
    %c0_i32_0 = arith.constant 0 : i32
    %c0_i32_1 = arith.constant 0 : i32
    return %arg0, %c0_i32, %c0_i32_0 : i32, i32, i32
  }
  func.func @transform_6(%arg0: i32) -> (i32, i32) {
    %c0_i32 = arith.constant 0 : i32
    %c0_i32_0 = arith.constant 0 : i32
    %c0_i32_1 = arith.constant 0 : i32
    return %c0_i32, %c0_i32_0 : i32, i32
  }
}

module attributes {stable_mosaic.version = 14 : i64} {
  func.func @_c3_kernel(%arg0: i32, %arg1: memref<256x32x64xf32, #tpu.memory_space<vmem>>, %arg2: memref<8x64xf32, #tpu.memory_space<vmem>>, %arg3: memref<64x128xf32, #tpu.memory_space<vmem>>, %arg4: memref<8x64xf32, #tpu.memory_space<vmem>>, %arg5: memref<1x128xf32, #tpu.memory_space<vmem>>, %arg6: memref<256x128xf32, #tpu.memory_space<vmem>>, %arg7: memref<8x128xf32, #tpu.memory_space<vmem>>) attributes {dimension_semantics = [#tpu.dimension_semantics<arbitrary>], iteration_bounds = array<i64: 16>, scalar_prefetch = 0 : i64, scratch_operands = 0 : i64, tpu.core_type = #tpu.core_type<tc>, window_params = [{transform_indices = @transform_0, window_bounds = array<i64: 256, 32, 64>}, {pipeline_mode = #tpu.pipeline_mode<synchronous>, transform_indices = @transform_1, window_bounds = array<i64: 8, 64>}, {pipeline_mode = #tpu.pipeline_mode<synchronous>, transform_indices = @transform_2, window_bounds = array<i64: 64, 128>}, {pipeline_mode = #tpu.pipeline_mode<synchronous>, transform_indices = @transform_3, window_bounds = array<i64: 8, 64>}, {pipeline_mode = #tpu.pipeline_mode<synchronous>, transform_indices = @transform_4, window_bounds = array<i64: 1, 128>}, {transform_indices = @transform_5, window_bounds = array<i64: 256, 128>}, {pipeline_mode = #tpu.pipeline_mode<synchronous>, transform_indices = @transform_6, window_bounds = array<i64: 8, 128>}]} {
    %get3A = arith.constant 0 : index
    %get3A_0 = arith.constant 0 : index
    %get3A_1 = vector.load %arg2[%get3A, %get3A_0] : memref<8x64xf32, #tpu.memory_space<vmem>>, vector<8x64xf32>
    %slice3A = vector.extract_strided_slice %get3A_1 {offsets = [0, 0], sizes = [1, 64], strides = [1, 1]} : vector<8x64xf32> to vector<1x64xf32>
    %div3A = arith.constant 1.310720e+05 : f32
    %div3A_2 = vector.broadcast %div3A : f32 to vector<1x64xf32>
    %div3A_3 = arith.divf %slice3A, %div3A_2 : vector<1x64xf32>
    %slice3A_4 = vector.extract_strided_slice %get3A_1 {offsets = [1, 0], sizes = [1, 64], strides = [1, 1]} : vector<8x64xf32> to vector<1x64xf32>
    %div3A_5 = arith.constant 1.310720e+05 : f32
    %div3A_6 = vector.broadcast %div3A_5 : f32 to vector<1x64xf32>
    %div3A_7 = arith.divf %slice3A_4, %div3A_6 : vector<1x64xf32>
    %mul3A = arith.mulf %div3A_3, %div3A_3 : vector<1x64xf32>
    %sub3A = arith.subf %div3A_7, %mul3A : vector<1x64xf32>
    %get3A_8 = arith.constant 0 : index
    %get3A_9 = arith.constant 0 : index
    %get3A_10 = arith.constant 0 : index
    %get3A_11 = vector.load %arg1[%get3A_8, %get3A_9, %get3A_10] : memref<256x32x64xf32, #tpu.memory_space<vmem>>, vector<256x32x64xf32>
    %reshape3A = vector.shape_cast %get3A_11 : vector<256x32x64xf32> to vector<8192x64xf32>
    %get3A_12 = arith.constant 0 : index
    %get3A_13 = arith.constant 0 : index
    %get3A_14 = vector.load %arg4[%get3A_12, %get3A_13] : memref<8x64xf32, #tpu.memory_space<vmem>>, vector<1x64xf32>
    %sub3A_15 = vector.broadcast %div3A_3 : vector<1x64xf32> to vector<8192x64xf32>
    %sub3A_16 = arith.subf %reshape3A, %sub3A_15 : vector<8192x64xf32>
    %mul3A_17 = vector.broadcast %get3A_14 : vector<1x64xf32> to vector<8192x64xf32>
    %mul3A_18 = arith.mulf %mul3A_17, %sub3A_16 : vector<8192x64xf32>
    %add3A = arith.constant 1.000000e-03 : f32
    %add3A_19 = vector.broadcast %add3A : f32 to vector<1x64xf32>
    %add3A_20 = arith.addf %sub3A, %add3A_19 : vector<1x64xf32>
    %sqrt3A = math.sqrt %add3A_20 : vector<1x64xf32>
    %div3A_21 = vector.broadcast %sqrt3A : vector<1x64xf32> to vector<8192x64xf32>
    %div3A_22 = arith.divf %mul3A_18, %div3A_21 : vector<8192x64xf32>
    %get3A_23 = arith.constant 1 : index
    %get3A_24 = arith.constant 0 : index
    %get3A_25 = vector.load %arg4[%get3A_23, %get3A_24] : memref<8x64xf32, #tpu.memory_space<vmem>>, vector<1x64xf32>
    %add3A_26 = vector.broadcast %get3A_25 : vector<1x64xf32> to vector<8192x64xf32>
    %add3A_27 = arith.addf %div3A_22, %add3A_26 : vector<8192x64xf32>
    %convert_element_type3A = arith.truncf %add3A_27 : vector<8192x64xf32> to vector<8192x64xbf16>
    %get3A_28 = arith.constant 0 : index
    %get3A_29 = arith.constant 0 : index
    %get3A_30 = vector.load %arg3[%get3A_28, %get3A_29] : memref<64x128xf32, #tpu.memory_space<vmem>>, vector<64x128xf32>
    %convert_element_type3A_31 = arith.truncf %get3A_30 : vector<64x128xf32> to vector<64x128xbf16>
    %dot_general3A = arith.constant dense<0.000000e+00> : vector<8192x128xf32>
    %dot_general3A_32 = tpu.matmul %convert_element_type3A, %convert_element_type3A_31, %dot_general3A {dimension_numbers = #tpu.dot_dimension_numbers<[1], [0], [0], [1], [0, 0, 1, 1], [], []>, transpose_lhs_hint = false} : vector<8192x64xbf16>, vector<64x128xbf16>, vector<8192x128xf32> -> vector<8192x128xf32>
    %get3A_33 = arith.constant 0 : index
    %get3A_34 = arith.constant 0 : index
    %get3A_35 = vector.load %arg5[%get3A_33, %get3A_34] : memref<1x128xf32, #tpu.memory_space<vmem>>, vector<1x128xf32>
    %add3A_36 = vector.broadcast %get3A_35 : vector<1x128xf32> to vector<8192x128xf32>
    %add3A_37 = arith.addf %dot_general3A_32, %add3A_36 : vector<8192x128xf32>
    %max3A = arith.constant 0.000000e+00 : f32
    %max3A_38 = vector.broadcast %max3A : f32 to vector<8192x128xf32>
    %max3A_39 = arith.maximumf %add3A_37, %max3A_38 : vector<8192x128xf32>
    %reduce_sum3A = arith.constant dense<0.000000e+00> : vector<128xf32>
    %reduce_sum3A_40 = vector.multi_reduction <add>, %max3A_39, %reduce_sum3A [0] : vector<8192x128xf32> to vector<128xf32>
    %broadcast_in_dim3A = vector.shape_cast %reduce_sum3A_40 : vector<128xf32> to vector<1x128xf32>
    %mul3A_41 = arith.mulf %max3A_39, %max3A_39 : vector<8192x128xf32>
    %reduce_sum3A_42 = arith.constant dense<0.000000e+00> : vector<128xf32>
    %reduce_sum3A_43 = vector.multi_reduction <add>, %mul3A_41, %reduce_sum3A_42 [0] : vector<8192x128xf32> to vector<128xf32>
    %broadcast_in_dim3A_44 = vector.shape_cast %reduce_sum3A_43 : vector<128xf32> to vector<1x128xf32>
    %broadcast_in_dim3A_45 = arith.constant 0.000000e+00 : f32
    %broadcast_in_dim3A_46 = vector.broadcast %broadcast_in_dim3A_45 : f32 to vector<6x128xf32>
    %concatenate3A = tpu.concatenate %broadcast_in_dim3A, %broadcast_in_dim3A_44, %broadcast_in_dim3A_46 in 0 : vector<1x128xf32>, vector<1x128xf32>, vector<6x128xf32> -> vector<8x128xf32>
    %eq3A = arith.constant 0 : i32
    %eq3A_47 = arith.cmpi eq, %arg0, %eq3A : i32
    %convert_element_type3A_48 = arith.extui %eq3A_47 : i1 to i32
    %cond3A = arith.constant 0 : i32
    %cond3A_49 = arith.cmpi ne, %convert_element_type3A_48, %cond3A : i32
    scf.if %cond3A_49 {
      %swap3A_58 = arith.constant 0 : index
      %swap3A_59 = arith.constant 0 : index
      %swap3A_60 = vector.load %arg7[%swap3A_58, %swap3A_59] : memref<8x128xf32, #tpu.memory_space<vmem>>, vector<8x128xf32>
      tpu.vector_store %arg7[%swap3A_58, %swap3A_59], %concatenate3A {strides = array<i32>} : memref<8x128xf32, #tpu.memory_space<vmem>>, vector<8x128xf32>,
    } else {
    }
    %gt3A = arith.constant 0 : i32
    %gt3A_50 = arith.cmpi sgt, %arg0, %gt3A : i32
    %convert_element_type3A_51 = arith.extui %gt3A_50 : i1 to i32
    %cond3A_52 = arith.constant 0 : i32
    %cond3A_53 = arith.cmpi ne, %convert_element_type3A_51, %cond3A_52 : i32
    scf.if %cond3A_53 {
      %get3A_58 = arith.constant 0 : index
      %get3A_59 = arith.constant 0 : index
      %get3A_60 = vector.load %arg7[%get3A_58, %get3A_59] : memref<8x128xf32, #tpu.memory_space<vmem>>, vector<8x128xf32>
      %add3A_61 = arith.addf %get3A_60, %concatenate3A : vector<8x128xf32>
      %swap3A_62 = arith.constant 0 : index
      %swap3A_63 = arith.constant 0 : index
      %swap3A_64 = vector.load %arg7[%swap3A_62, %swap3A_63] : memref<8x128xf32, #tpu.memory_space<vmem>>, vector<8x128xf32>
      tpu.vector_store %arg7[%swap3A_62, %swap3A_63], %add3A_61 {strides = array<i32>} : memref<8x128xf32, #tpu.memory_space<vmem>>, vector<8x128xf32>,
    } else {
    }
    %reshape3A_54 = vector.shape_cast %max3A_39 : vector<8192x128xf32> to vector<256x32x128xf32>
    %reduce_max3A = arith.constant dense<0xFF800000> : vector<256x128xf32>
    %reduce_max3A_55 = vector.multi_reduction <maximumf>, %reshape3A_54, %reduce_max3A [1] : vector<256x32x128xf32> to vector<256x128xf32>
    %swap3A = arith.constant 0 : index
    %swap3A_56 = arith.constant 0 : index
    %swap3A_57 = vector.load %arg6[%swap3A, %swap3A_56] : memref<256x128xf32, #tpu.memory_space<vmem>>, vector<256x128xf32>
    tpu.vector_store %arg6[%swap3A, %swap3A_56], %reduce_max3A_55 {strides = array<i32>} : memref<256x128xf32, #tpu.memory_space<vmem>>, vector<256x128xf32>,
    return
  }
  func.func @transform_0(%arg0: i32) -> (i32, i32, i32) {
    %c0_i32 = arith.constant 0 : i32
    %c0_i32_0 = arith.constant 0 : i32
    %c0_i32_1 = arith.constant 0 : i32
    return %arg0, %c0_i32, %c0_i32_0 : i32, i32, i32
  }
  func.func @transform_1(%arg0: i32) -> (i32, i32) {
    %c0_i32 = arith.constant 0 : i32
    %c0_i32_0 = arith.constant 0 : i32
    %c0_i32_1 = arith.constant 0 : i32
    return %c0_i32, %c0_i32_0 : i32, i32
  }
  func.func @transform_2(%arg0: i32) -> (i32, i32) {
    %c0_i32 = arith.constant 0 : i32
    %c0_i32_0 = arith.constant 0 : i32
    %c0_i32_1 = arith.constant 0 : i32
    return %c0_i32, %c0_i32_0 : i32, i32
  }
  func.func @transform_3(%arg0: i32) -> (i32, i32) {
    %c0_i32 = arith.constant 0 : i32
    %c0_i32_0 = arith.constant 0 : i32
    %c0_i32_1 = arith.constant 0 : i32
    return %c0_i32, %c0_i32_0 : i32, i32
  }
  func.func @transform_4(%arg0: i32) -> (i32, i32) {
    %c0_i32 = arith.constant 0 : i32
    %c0_i32_0 = arith.constant 0 : i32
    %c0_i32_1 = arith.constant 0 : i32
    return %c0_i32, %c0_i32_0 : i32, i32
  }
  func.func @transform_5(%arg0: i32) -> (i32, i32) {
    %c0_i32 = arith.constant 0 : i32
    %c0_i32_0 = arith.constant 0 : i32
    return %arg0, %c0_i32 : i32, i32
  }
  func.func @transform_6(%arg0: i32) -> (i32, i32) {
    %c0_i32 = arith.constant 0 : i32
    %c0_i32_0 = arith.constant 0 : i32
    %c0_i32_1 = arith.constant 0 : i32
    return %c0_i32, %c0_i32_0 : i32, i32
  }
}

module attributes {stable_mosaic.version = 14 : i64} {
  func.func @_c4_kernel(%arg0: memref<4096x128xf32, #tpu.memory_space<vmem>>, %arg1: memref<8x128xf32, #tpu.memory_space<vmem>>, %arg2: memref<8x128xf32, #tpu.memory_space<vmem>>, %arg3: memref<4096x128xf32, #tpu.memory_space<vmem>>) attributes {dimension_semantics = [], scalar_prefetch = 0 : i64, scratch_operands = 0 : i64, tpu.core_type = #tpu.core_type<tc>} {
    %get3A = arith.constant 0 : index
    %get3A_0 = arith.constant 0 : index
    %get3A_1 = vector.load %arg1[%get3A, %get3A_0] : memref<8x128xf32, #tpu.memory_space<vmem>>, vector<8x128xf32>
    %slice3A = vector.extract_strided_slice %get3A_1 {offsets = [0, 0], sizes = [1, 128], strides = [1, 1]} : vector<8x128xf32> to vector<1x128xf32>
    %div3A = arith.constant 1.310720e+05 : f32
    %div3A_2 = vector.broadcast %div3A : f32 to vector<1x128xf32>
    %div3A_3 = arith.divf %slice3A, %div3A_2 : vector<1x128xf32>
    %slice3A_4 = vector.extract_strided_slice %get3A_1 {offsets = [1, 0], sizes = [1, 128], strides = [1, 1]} : vector<8x128xf32> to vector<1x128xf32>
    %div3A_5 = arith.constant 1.310720e+05 : f32
    %div3A_6 = vector.broadcast %div3A_5 : f32 to vector<1x128xf32>
    %div3A_7 = arith.divf %slice3A_4, %div3A_6 : vector<1x128xf32>
    %mul3A = arith.mulf %div3A_3, %div3A_3 : vector<1x128xf32>
    %sub3A = arith.subf %div3A_7, %mul3A : vector<1x128xf32>
    %get3A_8 = arith.constant 0 : index
    %get3A_9 = arith.constant 0 : index
    %get3A_10 = vector.load %arg2[%get3A_8, %get3A_9] : memref<8x128xf32, #tpu.memory_space<vmem>>, vector<1x128xf32>
    %get3A_11 = arith.constant 0 : index
    %get3A_12 = arith.constant 0 : index
    %get3A_13 = vector.load %arg0[%get3A_11, %get3A_12] : memref<4096x128xf32, #tpu.memory_space<vmem>>, vector<4096x128xf32>
    %sub3A_14 = vector.broadcast %div3A_3 : vector<1x128xf32> to vector<4096x128xf32>
    %sub3A_15 = arith.subf %get3A_13, %sub3A_14 : vector<4096x128xf32>
    %mul3A_16 = vector.broadcast %get3A_10 : vector<1x128xf32> to vector<4096x128xf32>
    %mul3A_17 = arith.mulf %mul3A_16, %sub3A_15 : vector<4096x128xf32>
    %add3A = arith.constant 1.000000e-03 : f32
    %add3A_18 = vector.broadcast %add3A : f32 to vector<1x128xf32>
    %add3A_19 = arith.addf %sub3A, %add3A_18 : vector<1x128xf32>
    %sqrt3A = math.sqrt %add3A_19 : vector<1x128xf32>
    %div3A_20 = vector.broadcast %sqrt3A : vector<1x128xf32> to vector<4096x128xf32>
    %div3A_21 = arith.divf %mul3A_17, %div3A_20 : vector<4096x128xf32>
    %get3A_22 = arith.constant 1 : index
    %get3A_23 = arith.constant 0 : index
    %get3A_24 = vector.load %arg2[%get3A_22, %get3A_23] : memref<8x128xf32, #tpu.memory_space<vmem>>, vector<1x128xf32>
    %add3A_25 = vector.broadcast %get3A_24 : vector<1x128xf32> to vector<4096x128xf32>
    %add3A_26 = arith.addf %div3A_21, %add3A_25 : vector<4096x128xf32>
    %swap3A = arith.constant 0 : index
    %swap3A_27 = arith.constant 0 : index
    %swap3A_28 = vector.load %arg3[%swap3A, %swap3A_27] : memref<4096x128xf32, #tpu.memory_space<vmem>>, vector<4096x128xf32>
    tpu.vector_store %arg3[%swap3A, %swap3A_27], %add3A_26 {strides = array<i32>} : memref<4096x128xf32, #tpu.memory_space<vmem>>, vector<4096x128xf32>,
    return
  }
}

</mosaic_0001>

<sc_bundles>
// kernel: kernel.9.cloned.1.call-start
scs
__scs_entry_jumppad:
0x0: {  	(pc) =	sbr.rel $0x88, $3  }
0x1: {  	(tag) =	ssettag $0x0;
	lr =	simm.s32 $0x1  }
0x2: {  	[smem:$0x3F93] =	sst lr;
	_ =	strace $0xD0000000  }
0x3: {  	_ = 	snop  }
0x4: {  	_ = 	snop  }
0x5: {  	_ = 	snop  }
0x6: {  	_ = 	snop  }
0x7: {  	_ = 	snop  }
__scs_overlays_trampoline_lowered:
0x8: {  	[smem:$0x3FA2] =	sst s0  }
0x9: {  	[smem:$0x3FA3] =	sst s1  }
0xa: {  	[smem:$0x3FA4] =	sst s2  }
0xb: {  	[smem:$0x3FA5] =	sst s3  }
0xc: {  	[smem:$0x3FA6] =	sst s4  }
0xd: {  	[smem:$0x3FA7] =	sst s5  }
0xe: {  	[smem:$0x3FA8] =	sst s6  }
0xf: {  	[smem:$0x3FA9] =	sst s7  }
0x10: {  	[smem:$0x3FAA] =	sst s8  }
0x11: {  	[smem:$0x3FAB] =	sst s9;
	s0 =	simm.s32 @!p0 $0x0  }
0x12: {  	s1 =	sld [smem:$0x3F91];
	s0 =	simm.s32 @p0 $0x1  }
0x13: {  	[smem:$0x3FAC] =	sst s0;
	s0 =	simm.s32 @!p1 $0x0  }
0x14: {  	s2 =	sld [smem:$0x3F90];
	s0 =	simm.s32 @p1 $0x1  }
0x15: {  	[smem:$0x3FAD] =	sst s0;
	s0 =	simm.s32 @!p2 $0x0  }
0x16: {  	s3 =	sld [smem:$0x3FDB];
	s0 =	simm.s32 @p2 $0x1  }
0x17: {  	s4 =	simm.s32 $0x1BF5;
	[smem:$0x3FAF] =	sst s0  }
0x18: {  	s0 =	sld [smem:$0x3F92];
	_ =	swait.ge [sflag:s4], $0x0  }
0x19: {  	s7 =	sld [smem:$0x3F93]  }
0x1a: {  	s8 =	sadd.s32 $0xFFFFE003, lr  }
0x1b: {  	s9 =	sadd.s32 $0xFFFFFEF7, lr;
	s5 =	simm.s32 $0xFFFFFFFF;
	p2 =	slt.u32 s8, $0xFFFFF086  }
0x1c: {  	p1 =	slt.u32 s9, $0xF7A;
	s5 =	simm.s32 @!p2 $0x0  }
0x1d: {  	s5 =	simm.s32 @p1 $0x1;
	p0 =	seq.s32 s7, s2  }
0x1e: {  	s7 =	smul.u32 @!p0 $0xF7A, s2;
	p2 =	seq.s32 @!p0 s5, $0x0  }
0x1f: {  	s9 =	smul.u32 $0xF7A, s1;
	s8 =	simm.s32 @!p0 $0x1BF5;
	p2 =	por !p2, p0  }
0x20: {  	[sflag:s8] =	ssyncset.s32 @!p0 $0xFFFFF086;
	s6 =	sadd.s32 @!p0 s3, s7;
	s7 =	simm.s32 @!p0 $0x108  }
0x21: {  	s3 =	sadd.s32 s3, s9;
	s6 =	sadd.s32 @!p0 $0x88, s6;
	s7 =	simm.s32 @p2 $0x1082  }
0x22: {  	[simem:s7], [sflag:s8] =	dma.local @!p0 [hbm:s6], $0xF7A  }
0x23: {  	s9 =	sor.u32 $0xD0000000, s2;
	s6 =	simm.s32 $0x108;
	_ =	swait.ge @!p0 [sflag:s8], $0x0  }
0x24: {  	s3 =	sadd.s32 $0x88, s3;
	s6 =	simm.s32 @!p1 $0x1082;
	[sflag:s4] =	ssyncset.s32 $0xFFFFF086  }
0x25: {  	[simem:s6], [sflag:s4] =	dma.local [hbm:s3], $0xF7A  }
0x26: {  	[smem:$0x3F93] =	sst s1;
	(tag) =	ssettag s2;
	_ =	strace s9  }
0x27: {  	s1 =	sld [smem:$0x3FA3]  }
0x28: {  	s2 =	sld [smem:$0x3FA4]  }
0x29: {  	s4 =	sld [smem:$0x3FA6]  }
0x2a: {  	p0 =	seq.s32 s5, $0x0;
	s5 =	sld [smem:$0x3FA7]  }
0x2b: {  	s6 =	sld [smem:$0x3FA8]  }
0x2c: {  	s7 =	sld [smem:$0x3FA9]  }
0x2d: {  	s3 =	simm.s32 $0x108;
	s8 =	sld [smem:$0x3FAA]  }
0x2e: {  	s3 =	simm.s32 @!p0 $0x1082;
	s9 =	sld [smem:$0x3FAB]  }
0x2f: {  	lr =	sadd.s32 s0, s3;
	s0 =	sld [smem:$0x3FA2]  }
0x30: {  	s3 =	sld [smem:$0x3FA5]  }
0x31: {  	[smem:$0x3FAE] =	sst s10  }
0x32: {  	s10 =	sld [smem:$0x3FAC];
	_ =	sdelay $0x3  }
0x33: {  	p0 =	seq.s32 s10, $0x1;
	s10 =	sld [smem:$0x3FAE];
	_ =	sdelay $0x3  }
0x34: {  	[smem:$0x3FAE] =	sst s10  }
0x35: {  	s10 =	sld [smem:$0x3FAD];
	_ =	sdelay $0x3  }
0x36: {  	p1 =	seq.s32 s10, $0x1;
	s10 =	sld [smem:$0x3FAE];
	_ =	sdelay $0x3  }
0x37: {  	[smem:$0x3FAE] =	sst s10  }
0x38: {  	s10 =	sld [smem:$0x3FAF]  }
0x39: {  	_ = 	snop;
	(pc) =	sbr.ind lr, $3  }
0x3a: {  	_ = 	snop  }
0x3b: {  	_ = 	snop  }
0x3c: {  	p2 =	seq.s32 s10, $0x1;
	s10 =	sld [smem:$0x3FAE]  }
0x3d: {  	_ =	shalt  }
0x3e: {  	_ =	shalt  }
0x3f: {  	_ =	shalt  }
0x40: {  	_ =	shalt  }
0x41: {  	_ =	shalt  }
0x42: {  	_ =	shalt  }
0x43: {  	_ =	shalt  }
0x44: {  	_ =	shalt  }
0x45: {  	_ =	shalt  }
0x46: {  	_ =	shalt  }
0x47: {  	_ =	shalt  }
0x48: {  	_ =	shalt  }
0x49: {  	_ =	shalt  }
0x4a: {  	_ =	shalt  }
0x4b: {  	_ =	shalt  }
0x4c: {  	_ =	shalt  }
0x4d: {  	_ =	shalt  }
0x4e: {  	_ =	shalt  }
0x4f: {  	_ =	shalt  }
0x50: {  	_ =	shalt  }
0x51: {  	_ =	shalt  }
0x52: {  	_ =	shalt  }
0x53: {  	_ =	shalt  }
0x54: {  	_ =	shalt  }
0x55: {  	_ =	shalt  }
0x56: {  	_ =	shalt  }
0x57: {  	_ =	shalt  }
0x58: {  	_ =	shalt  }
0x59: {  	_ =	shalt  }
0x5a: {  	_ =	shalt  }
0x5b: {  	_ =	shalt  }
0x5c: {  	_ =	shalt  }
0x5d: {  	_ =	shalt  }
0x5e: {  	_ =	shalt  }
0x5f: {  	_ =	shalt  }
0x60: {  	_ =	shalt  }
0x61: {  	_ =	shalt  }
0x62: {  	_ =	shalt  }
0x63: {  	_ =	shalt  }
0x64: {  	_ =	shalt  }
0x65: {  	_ =	shalt  }
0x66: {  	_ =	shalt  }
0x67: {  	_ =	shalt  }
0x68: {  	_ =	shalt  }
0x69: {  	_ =	shalt  }
0x6a: {  	_ =	shalt  }
0x6b: {  	_ =	shalt  }
0x6c: {  	_ =	shalt  }
0x6d: {  	_ =	shalt  }
0x6e: {  	_ =	shalt  }
0x6f: {  	_ =	shalt  }
0x70: {  	_ =	shalt  }
0x71: {  	_ =	shalt  }
0x72: {  	_ =	shalt  }
0x73: {  	_ =	shalt  }
0x74: {  	_ =	shalt  }
0x75: {  	_ =	shalt  }
0x76: {  	_ =	shalt  }
0x77: {  	_ =	shalt  }
0x78: {  	_ =	shalt  }
0x79: {  	_ =	shalt  }
0x7a: {  	_ =	shalt  }
0x7b: {  	_ =	shalt  }
0x7c: {  	_ =	shalt  }
0x7d: {  	_ =	shalt  }
0x7e: {  	_ =	shalt  }
0x7f: {  	_ =	shalt  }
0x80: {  	_ =	shalt  }
0x81: {  	_ =	shalt  }
0x82: {  	_ =	shalt  }
0x83: {  	_ =	shalt  }
0x84: {  	_ =	shalt  }
0x85: {  	_ =	shalt  }
0x86: {  	_ =	shalt  }
0x87: {  	_ =	shalt  }
.Lfunc_end0:
.L_simem_size_0:
called_computation_lowered:
.L_overlay_start_0:
0x88: {  	s2 =	sld [smem:$0x3FD9]  }
0x89: {  	s3 =	sld [smem:$0x3FFE];
	_ =	sdelay $0x1  }
0x8a: {  	s1 =	srdreg.scid  }
0x8b: {  	s0 =	sand.u32 $0x1, s1  }
0x8c: {  	s14 =	sshll.u32 s0, $0xA;
	s2 =	sadd.s32 s3, s2  }
0x8d: {  	s2 =	sadd.s32 s2, s14  }
0x8e: {  	[smem:$0x3FBA] =	sst s2  }
0x8f: {  	_ = 	snop  }
0x90: {  	s2 =	sld [smem:$0x3FD0];
	_ =	sdelay $0x2  }
0x91: {  	s15 =	simm.s32 $0xA;
	s4 =	simm.s32 $0x10  }
0x92: {  	[smem:s4], [sflag:s15] =	dma.local [hbm:s2], $0x1  }
0x93: {  	_ =	swait.eq [sflag:s15], $0x1  }
0x94: {  	[sflag:s15] =	ssyncset.done $0x0  }
0x95: {  	[sflag:s15] =	ssyncadd.s32 $0xFFFFFFFF  }
0x96: {  	s16 =	sld [smem:$0x11];
	(tm) =	ssettm $0x1  }
0x97: {  	s17 =	sld [smem:$0x3FFB];
	_ =	sdelay $0x3  }
0x98: {  	_ =	strace s17  }
0x99: {  	s3 =	sld [smem:$0x3FFC];
	_ =	sdelay $0x3  }
0x9a: {  	_ =	strace s3  }
0x9b: {  	s3 =	sld [smem:$0x3FFD];
	_ =	sdelay $0x3  }
0x9c: {  	_ =	strace s3  }
0x9d: {  	_ =	strace $0x8FFFFFFF  }
0x9e: {  	s18 =	sld [smem:$0x3FDB];
	_ =	sdelay $0x1  }
0x9f: {  	s19 =	simm.s32 $_scs_section_size  }
0xa0: {  	s5 =	simm.s32 $_size__tile_overlayer_lowered;
	s6 =	simm.s32 $_tile_overlayer_lowered  }
0xa1: {  	s22 =	simm.s32 $0x1BFF;
	s21 =	sshll.u32 s6, $0x1;
	s3 =	sadd.s32 s19, s18  }
0xa2: {  	s7 =	simm.s32 $0x0;
	s20 =	sshll.u32 s5, $0x1;
	s5 =	sadd.s32 s21, s3  }
0xa3: {  	[timem:s7], [sflag:s22] =	dma.local [hbm:s5], s20  }
0xa4: {  	_ =	swait.ge [sflag:s22], s20  }
0xa5: {  	s4 =	ssub.s32 $0x0, s20;
	[sflag:s22] =	ssyncset.done $0x0  }
0xa6: {  	[sflag:s22] =	ssyncadd.s32 s4;
	_ =	sdelay $0x1  }
0xa7: {  	s23 =	simm.s32 $0x1B8B  }
0xa8: {  	_ =	swait.ge [sflag:s23], $0x1  }
0xa9: {  	[sflag:s23] =	ssyncset.done $0x0  }
0xaa: {  	s25 =	simm.s32 $0x1B8E;
	s24 =	sld [smem:$0x3FFE];
	[sflag:s23] =	ssyncadd.s32 $0xFFFFFFFF  }
0xab: {  	s26 =	simm.s32 $execute0_lowered;
	[smem:$0x3FD2] =	sst s25  }
0xac: {  	s5 =	sshll.u32 s26, $0x1;
	_ =	strace $0x80000046;
	[dreg:$0x1] =	wrdreg $0xFFFFFFFF  }
0xad: {  	s28 =	simm.s32 $_size_execute0_lowered;
	s3 =	sadd.s32 s3, s5;
	[dreg:$0x0] =	wrdreg $0x0  }
0xae: {  	s5 =	sshll.u32 s28, $0x1;
	[dreg:$0x2] =	wrdreg s3  }
0xaf: {  	[dreg:$0x3] =	wrdreg s5  }
0xb0: {  	[dreg:$0x4] =	wrdreg $0xC0  }
0xb1: {  	_ =	task [dreg:s7], $0x5FFFF  }
0xb2: {  	[dreg:$0x1] =	wrdreg $0xFFFFFFFF  }
0xb3: {  	[dreg:$0x0] =	wrdreg $0x60  }
0xb4: {  	[dreg:$0x2] =	wrdreg s16  }
0xb5: {  	[dreg:$0x3] =	wrdreg s24  }
0xb6: {  	[dreg:$0x4] =	wrdreg $0x9  }
0xb7: {  	_ =	task.clear_ibuf [dreg:s7], $0x5FFFF;
	_ =	strace $0x90000046  }
0xb8: {  	s29 =	simm.s32 $0x9;
	_ =	strace $0x80000048  }
0xb9: {  	_ =	swait.ge [sflag:s29], $0x1  }
0xba: {  	[sflag:s29] =	ssyncadd.s32 $0xFFFFFFFF  }
0xbb: {  	_ =	strace $0x90000048  }
0xbc: {  	_ =	sfence  }
0xbd: {  	s30 =	sld [smem:$0x0];
	_ =	sdelay $0x2  }
0xbe: {  	s31 =	sshll.u32 s1, $0xD;
	s1 =	sshrl.u32 s1, $0x2  }
0xbf: {  	s3 =	sand.u32 $0x4000, s31;
	s1 =	sadd.s32 s1, s30  }
0xc0: {  	s0 =	sor.u32 s3, s0;
	s1 =	sshll.u32 s1, $0x11  }
0xc1: {  	s0 =	sor.u32 s1, s0  }
0xc2: {  	s0 =	sadd.s32 $0x8F2B, s0  }
0xc3: {  	[sflag:s0] =	ssyncadd.remote.s32 $0x1  }
0xc4: {  	_ =	sfence.sel $0xFFFF  }
0xc5: {  	[dreg:$0x0] =	wrdreg $0xFFFFFFFF;
	(pc) =	sbr.abs _section_cstart, $3  }
0xc6: {  	[dreg:$0x1] =	wrdreg $0xFFFFFFFF  }
0xc7: {  	_ =	task.clear_ibuf [dreg:s7], $0x2FFFF;
	_ =	strace $0x9FFFFFFF  }
0xc8: {  	(tm) =	ssettm $0x7FFFFFFF  }
0xc9: {  	_ =	shalt  }
tec
execute0_lowered:
.L_overlay_start_1:
0x0: {  	(tag) =	ssettag $0x1  }
0x1: {  	s0 =	rddreg [dreg:$0x0]  }
0x2: {  	s1 =	rddreg [dreg:$0x1]  }
0x3: {  	s2 =	simm.s32 $0x0;
	s5 =	stileid.u32;
	s3 =	srdreg.scid  }
0x4: {  	s15 =	simm.s32 $0x2;
	s28 =	simm.s32 $0x6C70;
	s29 =	simm.s32 $0x4370  }
0x5: {  	s30 =	simm.s32 $0x9470;
	s31 =	simm.s32 $0x43F0;
	s16 =	simm.s32 $0x0  }
0x6: {  	s19 =	simm.s32 $0x0;
	s4 =	sshll.u32 s5, $0xB;
	s3 =	sand.u32 $0x1, s3  }
0x7: {  	s5 =	sshll.u32 s5, $0x1;
	[smem:$0x7FF] =	sst s2;
	s6 =	sand.u32 $0x7000, s4  }
0x8: {  	s5 =	sor.u32 s3, s5;
	_ =	strace $0x80000047;
	s10 =	ssub.s32 $0x2, s3  }
0x9: {  	s3 =	sadd.s32 $0x4C00, s1;
	s4 =	sadd.s32 $0x54C00, s1;
	s7 =	sshrl.u32 s6, $0x3  }
0xa: {  	s20 =	sshll.u32 s5, $0x4;
	s21 =	sshrl.u32 s10, $0x1;
	s13 =	sshll.u32 s5, $0xC  }
0xb: {  	s8 =	sadd.s32 s7, s1;
	s9 =	sadd.s32 s20, s1;
	s0 =	sadd.s32 s0, s7  }
0xc: {  	s1 =	ssub.s32 s10, s21;
	[dreg:$0x3] =	wrdreg s0;
	s22 =	sadd.s32 $0x3C00, s8  }
0xd: {  	s23 =	sadd.s32 $0x2C00, s8;
	s24 =	sadd.s32 $0x1C00, s8;
	[dreg:$0x4] =	wrdreg s22  }
0xe: {  	s25 =	sadd.s32 $0x1A00, s9;
	s26 =	sadd.s32 $0x1800, s9;
	[dreg:$0x5] =	wrdreg s23  }
0xf: {  	s11 =	sadd.s32 $0x1600, s9;
	s12 =	sadd.s32 $0x1400, s9;
	[dreg:$0x6] =	wrdreg s24  }
0x10: {  	s14 =	smax.u32 s1, $0x1;
	s0 =	simm.s32 $0xBC70;
	[dreg:$0x7] =	wrdreg s25  }
0x11: {  	v0 =	vlaneseq.u32;
	s1 =	simm.s32 $0x1;
	[dreg:$0x8] =	wrdreg s26;
	s23 =	simm.s32 $0x80  }
0x12: {  	v2 =	vor.u32 $0x10, v0;
	v1 =	vmov s6;
	s24 =	simm.s32 $0x4270;
	s25 =	simm.s32 $0x4470;
	s26 =	simm.s32 $0x42F0  }
.LBB2_1:
0x13: {  	s5 =	rddreg [dreg:$0x3]  }
0x14: {  	[tilespmem:s2], [sflag:$0x2] =	stream.linear.gather [hbm4b:s5+s2], $0x1000, $0x38;
	[tilespmem:$0xE470] =	vst v63  }
0x15: {  	_ =	swait.ge [sflag:s15], $0x1000  }
0x16: {  	[sflag:s15] =	ssyncset.done $0x0  }
0x17: {  	s6 =	simm.s32 $0x1000;
	s22 =	rddreg [dreg:$0x4];
	[sflag:s15] =	ssyncadd.s32 $0xFFFFF000  }
0x18: {  	[tilespmem:s6], [sflag:$0x2] =	stream.linear.gather [hbm4b:s22+s2], $0x1000, $0x38;
	[tilespmem:$0xE470] =	vst v63  }
0x19: {  	_ =	swait.ge [sflag:s15], $0x1000  }
0x1a: {  	[sflag:s15] =	ssyncset.done $0x0  }
0x1b: {  	s7 =	simm.s32 $0x2000;
	s6 =	rddreg [dreg:$0x5];
	[sflag:s15] =	ssyncadd.s32 $0xFFFFF000  }
0x1c: {  	[tilespmem:s7], [sflag:$0x2] =	stream.linear.gather [hbm4b:s6+s2], $0x1000, $0x38;
	[tilespmem:$0xE470] =	vst v63  }
0x1d: {  	_ =	swait.ge [sflag:s15], $0x1000  }
0x1e: {  	[sflag:s15] =	ssyncset.done $0x0  }
0x1f: {  	s9 =	simm.s32 $0x3000;
	s8 =	rddreg [dreg:$0x6];
	[sflag:s15] =	ssyncadd.s32 $0xFFFFF000  }
0x20: {  	[tilespmem:s9], [sflag:$0x2] =	stream.linear.gather [hbm4b:s8+s2], $0x1000, $0x38;
	[tilespmem:$0xE470] =	vst v63  }
0x21: {  	_ =	swait.ge [sflag:s15], $0x1000  }
0x22: {  	[sflag:s15] =	ssyncset.done $0x0  }
0x23: {  	s17 =	simm.s32 $0x4000;
	s10 =	rddreg [dreg:$0x7];
	[sflag:s15] =	ssyncadd.s32 $0xFFFFF000  }
0x24: {  	[tilespmem:s17], [sflag:$0x2] =	stream.linear.gather [hbm4b:s10+s2], $0x80, $0x38;
	[tilespmem:$0xE470] =	vst v63  }
0x25: {  	_ =	swait.ge [sflag:s15], $0x80  }
0x26: {  	[sflag:s15] =	ssyncset.done $0x0  }
0x27: {  	s20 =	simm.s32 $0x4090;
	s18 =	rddreg [dreg:$0x8];
	[sflag:s15] =	ssyncadd.s32 $0xFFFFFF80  }
0x28: {  	[tilespmem:s20], [sflag:$0x2] =	stream.linear.gather [hbm4b:s18+s2], $0x80, $0x38;
	[tilespmem:$0xE470] =	vst v63  }
0x29: {  	_ =	swait.ge [sflag:s15], $0x80  }
0x2a: {  	[sflag:s15] =	ssyncset.done $0x0  }
0x2b: {  	s21 =	simm.s32 $0x4120;
	[sflag:s15] =	ssyncadd.s32 $0xFFFFFF80  }
0x2c: {  	[tilespmem:s21], [sflag:$0x2] =	stream.linear.gather [hbm4b:s11+s2], $0x80, $0x38;
	[tilespmem:$0xE470] =	vst v63  }
0x2d: {  	_ =	swait.ge [sflag:s15], $0x80  }
0x2e: {  	[sflag:s15] =	ssyncset.done $0x0  }
0x2f: {  	s22 =	simm.s32 $0x41B0;
	[sflag:s15] =	ssyncadd.s32 $0xFFFFFF80  }
0x30: {  	[tilespmem:s22], [sflag:$0x2] =	stream.linear.gather [hbm4b:s12+s2], $0x80, $0x38;
	[tilespmem:$0xE470] =	vst v63  }
0x31: {  	_ =	swait.ge [sflag:s15], $0x80  }
0x32: {  	[sflag:s15] =	ssyncset.done $0x0  }
0x33: {  	s17 =	simm.s32 $0x0;
	[sflag:s15] =	ssyncadd.s32 $0xFFFFFF80  }
.LBB2_2:
0x34: {  	s18 =	sshll.u32 s17, $0x4;
	s20 =	simm.s32 $0x0  }
.LBB2_3:
0x35: {  	s5 =	sadd.s32 s18, s20;
	v7 =	vld [tilespmem:s19+$0x0]  }
0x36: {  	v3 =	vld.msk [tilespmem:s5+$0x4000 ss:$0x0], $0xffff  }
0x37: {  	s6 =	simm.s32 $0x1000;
	v4 =	vld.msk [tilespmem:s5+$0x4090 ss:$0x0], $0xffff  }
0x38: {  	v8 =	vld [tilespmem:s6+$0x0]  }
0x39: {  	s21 =	simm.s32 $0x2000;
	v5 =	vld.msk [tilespmem:s5+$0x4120 ss:$0x0], $0xffff  }
0x3a: {  	v9 =	vld [tilespmem:s21+$0x0];
	_ =	sdelay $0x2  }
0x3b: {  	s22 =	simm.s32 $0x3000;
	v6 =	vld.msk [tilespmem:s5+$0x41B0 ss:$0x0], $0xffff;
	v7 =	vmul.f32 v7, v3;
	v8 =	vmul.f32 v8, v4  }
0x3c: {  	v10 =	vld [tilespmem:s22+$0x0]  }
0x3d: {  	v7 =	vadd.f32 v8, v7;
	v8 =	vmul.f32 v9, v5;
	_ =	sdelay $0x1  }
0x3e: {  	v7 =	vadd.f32 v8, v7;
	_ =	sdelay $0x1  }
0x3f: {  	v8 =	vadd.f32 v10, v6;
	v7 =	vadd.f32 v7, v7;
	_ =	sdelay $0x1  }
0x40: {  	v7 =	vsub.f32 v8, v7;
	_ =	sdelay $0x1  }
0x41: {  	vm0 =	vle.f32 v7, $3.999999910e-02;
	v7 =	vor.u32 s19, v0  }
0x42: {  	v7 =	vnsel vm0, $0x7FFFFFFF, v7;
	v8 =	vmpcnt.ones.xlane vm0  }
0x43: {  	(xrf1) =	vsort.ascd.msk.u32 $0xffff, v7, v7  }
0x44: {  	(v2sf) =	vpush v8, $0x0;
	_ =	sdelay $0xb  }
0x45: {  	p0 =	por $0x1, $0x1;
	s6 =	simm.s32 $0x0  }
0x46: {  	s6 =	simm.s32 @!p0 $0x20;
	v7, _, _ =	vpop (xrf1)  }
0x47: {  	s7 =	simm.s32 $0x20;
	s8 =	simm.s32 $0x1010;
	s5 =	simm.s32 $0x10;
	[tilespmem:s6+$0x4240] =	vst v7  }
0x48: {  	s9 =	simm.s32 $0x10;
	s6 =	simm.s32 $0x0;
	v7 =	vld [tilespmem:s5+$0x0];
	s10 =	spop (v2sf)  }
.LBB2_4:
0x49: {  	s6 =	sadd.s32 s6, s10  }
0x4a: {  	v8 =	vld [tilespmem:s8+$0x0];
	s21 =	sadd.s32 $0x10, s21;
	s22 =	sadd.s32 $0x10, s22;
	s10 =	smov.u32 s7  }
0x4b: {  	p0 =	sne.s32 s7, $0xFF0;
	s7 =	sadd.s32 $0x10, s7;
	p1 =	slt.s32 s6, $0x20  }
0x4c: {  	v9 =	vld [tilespmem:s21+$0x0];
	_ =	sdelay $0x2  }
0x4d: {  	v7 =	vmul.f32 v7, v3;
	v8 =	vmul.f32 v8, v4  }
0x4e: {  	v10 =	vld [tilespmem:s22+$0x0]  }
0x4f: {  	v7 =	vadd.f32 v8, v7;
	v8 =	vmul.f32 v9, v5;
	_ =	sdelay $0x1  }
0x50: {  	v7 =	vadd.f32 v8, v7;
	_ =	sdelay $0x1  }
0x51: {  	v8 =	vadd.f32 v10, v6;
	v7 =	vadd.f32 v7, v7;
	_ =	sdelay $0x1  }
0x52: {  	v7 =	vsub.f32 v8, v7;
	_ =	sdelay $0x1  }
0x53: {  	vm0 =	vle.f32 v7, $3.999999910e-02;
	v7 =	vor.u32 s5, v0;
	s5 =	smov.u32 s10  }
0x54: {  	v7 =	vnsel vm0, $0x7FFFFFFF, v7;
	v8 =	vmpcnt.ones.xlane vm0  }
0x55: {  	(xrf1) =	vsort.ascd.msk.u32 $0xffff, v7, v7  }
0x56: {  	(v2sf) =	vpush v8, $0x0;
	_ =	sdelay $0xa  }
.Ltmp0:
0x57: {  	(pc) =	sbr.rel @p0 .LBB2_4-.Ltmp0, $4  }
0x58: {  	s10 =	smov.u32 s6  }
0x59: {  	s10 =	simm.s32 @!p1 $0x20;
	v7, _, _ =	vpop (xrf1)  }
0x5a: {  	s9 =	sadd.s32 $0x10, s9;
	[tilespmem:s10+$0x4240] =	vst v7  }
0x5b: {  	s8 =	sadd.s32 $0x10, s8;
	v7 =	vld [tilespmem:s9+$0x0];
	s10 =	spop (v2sf)  }
0x5c: {  	v8 =	vld [tilespmem:s8+$0x0]  }
0x5d: {  	s7 =	sadd.s32 $0x10, s21  }
0x5e: {  	v9 =	vld [tilespmem:s7+$0x0];
	_ =	sdelay $0x2  }
0x5f: {  	s9 =	sadd.s32 $0x10, s22;
	v3 =	vmul.f32 v7, v3;
	v4 =	vmul.f32 v8, v4  }
0x60: {  	v59 =	vld [tilespmem:s9+$0x0]  }
0x61: {  	v60 =	vmul.f32 v9, v5;
	v3 =	vadd.f32 v4, v3;
	_ =	sdelay $0x1  }
0x62: {  	v3 =	vadd.f32 v60, v3;
	_ =	sdelay $0x1  }
0x63: {  	v61 =	vadd.f32 v59, v6;
	v3 =	vadd.f32 v3, v3;
	_ =	sdelay $0x1  }
0x64: {  	v3 =	vsub.f32 v61, v3;
	_ =	sdelay $0x1  }
0x65: {  	vm0 =	vle.f32 v3, $3.999999910e-02;
	v3 =	vor.u32 s5, v0  }
0x66: {  	v3 =	vnsel vm0, $0x7FFFFFFF, v3  }
0x67: {  	(xrf1) =	vsort.ascd.msk.u32 $0xffff, v3, v3;
	_ =	sdelay $0xb  }
0x68: {  	s10 =	sadd.s32 s6, s10  }
0x69: {  	p0 =	slt.s32 s10, $0x20;
	s6 =	smov.u32 s10  }
0x6a: {  	s6 =	simm.s32 @!p0 $0x20;
	v3, _, _ =	vpop (xrf1)  }
0x6b: {  	[tilespmem:s6+$0x4240] =	vst v3  }
0x6c: {  	v3 =	vld [tilespmem:$0x4240]  }
0x6d: {  	v62 =	vmpcnt.ones.xlane vm0;
	_ =	sdelay $0x1  }
0x6e: {  	(v2sf) =	vpush v62, $0x0;
	_ =	sdelay $0x1  }
0x6f: {  	(v2sf) =	vpush v3, $0x0;
	_ =	sdelay $0xc  }
0x70: {  	s21 =	spop (v2sf)  }
0x71: {  	s5 =	sadd.s32 s10, s21  }
0x72: {  	p0 =	sgt.s32 s5, $0x0;
	v63 =	vmov s5;
	s6 =	spop (v2sf)  }
0x73: {  	vm14 =	vgt.s32 v63, v0;
	s6 =	simm.s32 @!p0 $0xFFF  }
0x74: {  	s22 =	sshll.u32 s20, $0x5;
	v3 =	vnsel vm14, s6, v3  }
0x75: {  	s5 =	sand.u32 $0x1E0, s22;
	v3 =	vadd.s32 v1, v3  }
0x76: {  	[tilespmem:s5+$0x4270] =	vst v3  }
0x77: {  	v3 =	vld [tilespmem:$0x4250]  }
0x78: {  	s20 =	sadd.s32 $0x1, s20  }
0x79: {  	p0 =	sne.s32 s20, $0x10  }
.Ltmp1:
0x7a: {  	_ = 	snop;
	(pc) =	sbr.rel @p0 .LBB2_3-.Ltmp1, $4  }
0x7b: {  	vm15 =	vgt.s32 v63, v2  }
0x7c: {  	v3 =	vnsel vm15, s6, v3  }
0x7d: {  	v3 =	vadd.s32 v1, v3  }
0x7e: {  	[tilespmem:s5+$0x4280] =	vst v3  }
0x7f: {  	[tilespmem:s25], [sflag:$0x1] =	stream.indirect.gather [hbm4b:s3+s23], $0x50, s24, s23, $0xb8;
	[tilespmem:$0xE470] =	vst v63  }
0x80: {  	_ = 	snop  }
0x81: {  	[tilespmem:s28], [sflag:$0x1] =	stream.indirect.gather [hbm4b:s3+s23], $0x50, s26, s23, $0xb8;
	[tilespmem:$0xE470] =	vst v63  }
0x82: {  	_ = 	snop  }
0x83: {  	[tilespmem:s30], [sflag:$0x1] =	stream.indirect.gather [hbm4b:s3+s23], $0x50, s29, s23, $0xb8;
	[tilespmem:$0xE470] =	vst v63  }
0x84: {  	_ = 	snop  }
0x85: {  	[tilespmem:s0], [sflag:$0x1] =	stream.indirect.gather [hbm4b:s3+s23], $0x50, s31, s23, $0xb8;
	[tilespmem:$0xE470] =	vst v63  }
0x86: {  	_ =	swait.ge [sflag:s1], $0x2800  }
0x87: {  	[sflag:s1] =	ssyncset.done $0x0  }
0x88: {  	[sflag:s1] =	ssyncadd.s32 $0xFFFFD800  }
0x89: {  	_ =	swait.ge [sflag:s1], $0x2800  }
0x8a: {  	[sflag:s1] =	ssyncset.done $0x0  }
0x8b: {  	[sflag:s1] =	ssyncadd.s32 $0xFFFFD800  }
0x8c: {  	_ =	swait.ge [sflag:s1], $0x2800  }
0x8d: {  	s5 =	sshll.u32 s17, $0x9;
	[sflag:s1] =	ssyncset.done $0x0  }
0x8e: {  	s5 =	sadd.s32 s13, s5;
	[sflag:s1] =	ssyncadd.s32 $0xFFFFD800  }
0x8f: {  	s17 =	sadd.s32 $0x1, s17;
	s5 =	smul.u32 $0xA, s5;
	_ =	swait.ge [sflag:s1], $0x2800  }
0x90: {  	p0 =	sne.s32 s17, $0x8;
	[sflag:s1] =	ssyncset.done $0x0  }
.Ltmp2:
0x91: {  	s5 =	sadd.s32 s4, s5;
	[sflag:s1] =	ssyncadd.s32 $0xFFFFD800;
	(pc) =	sbr.rel @p0 .LBB2_2-.Ltmp2, $4  }
0x92: {  	[hbm4b:s5+s2] =	stream.linear.scatter [tilespmem:s25], [sflag:$0x2], $0xA000, $0x38;
	[tilespmem:$0xE470] =	vst v63  }
0x93: {  	_ =	swait.ge [sflag:s15], $0xA000  }
0x94: {  	[sflag:s15] =	ssyncset.done $0x0  }
0x95: {  	[sflag:s15] =	ssyncadd.s32 $0xFFFF6000  }
0x96: {  	s16 =	sadd.s32 $0x1, s16  }
0x97: {  	p0 =	sne.s32 s16, s14  }
.Ltmp3:
0x98: {  	_ = 	snop;
	(pc) =	sbr.rel @p0 .LBB2_1-.Ltmp3, $1  }
0x99: {  	_ =	sdelay $0x3  }
0x9a: {  	_ =	sfence.sel $0x180000  }
0x9b: {  	[bflag:$0x0] =	sbarrier.arrive $0xFFFF  }
0x9c: {  	_ =	strace $0x90000047  }
0x9d: {  	s0 =	stileid.u32;
	[bflag:$0x2] =	sbarrier.arrive $0xFFFF  }
0x9e: {  	p0 =	sne.s32 s0, $0x0;
	s0 =	rddreg [dreg:$0x2]  }
0x9f: {  	s0 =	sadd.s32 @!p0 $0x100000, s0  }
0xa0: {  	[sflag:s0] =	ssyncadd.tile.s32 @!p0 $0x1;
	_ =	shalt  }
.Lfunc_end2:
_tile_overlayer_lowered:
.L_overlay_start_2:
0xa1: {  	(tag) =	ssettag $0x2  }
0xa2: {  	s0 =	rddreg [dreg:$0x0];
	s2 =	stileid.u32  }
0xa3: {  	s1 =	rddreg [dreg:$0x1];
	p0 =	sne.s32 s2, $0x0  }
0xa4: {  	s3 =	rddreg [dreg:$0x2];
	[bflag:$0x3] =	sbarrier.arrive $0xFFFF;
	s2 =	simm.s32 @!p0 $0x1C02  }
0xa5: {  	[timem:s3], [sflag:s2] =	dma.local @!p0 [hbm:s0], s1  }
0xa6: {  	s0 =	simm.s32 @!p0 $0x2  }
0xa7: {  	_ =	swait.ge @!p0 [sflag:s0], s1  }
0xa8: {  	s1 =	ssub.s32 @!p0 $0x0, s1;
	[sflag:s0] =	ssyncset.done @!p0 $0x0  }
0xa9: {  	[sflag:s0] =	ssyncadd.s32 @!p0 s1  }
0xaa: {  	[bflag:$0x3] =	sbarrier.arrive $0xFFFF  }
0xab: {  	_ =	shalt  }

</sc_bundles>
